<compile_context>
chip_gen: v7x
topology: tpu7x:2x2x1
jax: 0.10.2.dev20260603
libtpu: 0.0.44.dev20260713+nightly
codegen_flags: <defaults>
</compile_context>

<pallas_src>
import functools

import jax
import jax.numpy as jnp
from jax import lax
from jax.experimental import pallas as pl
from jax.experimental.pallas import tpu as pltpu
from jax.experimental.pallas import tpu_sc as plsc

NC = 2
NS = 16
NW = NC * NS
LANES = 16
CHUNK = 128
CW = 16
ZROWS = 128
D = 64


def _mesh():
    return plsc.VectorSubcoreMesh(
        core_axis_name="c", subcore_axis_name="s", num_cores=NC, num_subcores=NS
    )


def _zero_fill(ref, nrows, width):
    def body(i, _):
        for k in range(width // LANES):
            ref[i, pl.ds(k * LANES, LANES)] = jnp.zeros((LANES,), jnp.float32)
        return 0
    lax.fori_loop(0, nrows, body, 0)


def _make_count(n2, cpt):
    rpt = n2 // NS

    @functools.partial(
        pl.kernel,
        out_type=jax.ShapeDtypeStruct((NC, n2, CW), jnp.float32),
        mesh=_mesh(),
        compiler_params=pltpu.CompilerParams(use_tc_tiling_on_sc=False),
        scratch_types=[
            pltpu.VMEM((cpt, 1, CHUNK), jnp.int32),
            pltpu.VMEM((CHUNK, CW), jnp.float32),
            pltpu.VMEM((ZROWS, CW), jnp.float32),
            pltpu.VMEM_SHARED((n2, CW), jnp.float32),
        ],
    )
    def count_kernel(dst_hbm, out_hbm, dstv, onesv, zerov, acc):
        c = lax.axis_index("c")
        s = lax.axis_index("s")

        def fill_ones(i, _):
            onesv[i, :] = jnp.full((LANES,), 1.0 / CW, jnp.float32)
            return 0
        lax.fori_loop(0, CHUNK, fill_ones, 0)
        _zero_fill(zerov, ZROWS, CW)
        for k in range(rpt // ZROWS):
            pltpu.sync_copy(zerov, acc.at[pl.ds(s * rpt + k * ZROWS, ZROWS)])
        plsc.subcore_barrier()

        tile_row0 = (c * NS + s) * cpt
        pltpu.sync_copy(dst_hbm.at[pl.ds(tile_row0, cpt)], dstv)

        def body(j, _):
            pltpu.sync_copy(onesv, acc.at[dstv.at[j, 0]], add=True)
            return 0
        lax.fori_loop(0, cpt, body, 0)
        plsc.subcore_barrier()

        pltpu.sync_copy(
            acc.at[pl.ds(s * rpt, rpt)], out_hbm.at[c, pl.ds(s * rpt, rpt)]
        )

    return count_kernel


def _make_scatter(n2, cpt, nph):
    rpt = n2 // NS
    NBUF = 2

    @functools.partial(
        pl.kernel,
        out_type=jax.ShapeDtypeStruct((nph, NC, n2, D), jnp.float32),
        mesh=_mesh(),
        compiler_params=pltpu.CompilerParams(use_tc_tiling_on_sc=False),
        scratch_types=[
            pltpu.VMEM((cpt, 1, CHUNK), jnp.int32),
            pltpu.VMEM((cpt, 1, CHUNK), jnp.int32),
        ]
        + [pltpu.VMEM((CHUNK, D), jnp.float32) for _ in range(NBUF)]
        + [
            pltpu.VMEM((ZROWS, D), jnp.float32),
            pltpu.VMEM_SHARED((n2, D), jnp.float32),
        ]
        + [pltpu.SemaphoreType.DMA for _ in range(2 * NBUF)],
    )
    def scatter_kernel(src_hbm, dst_hbm, g_hbm, out_hbm, srcv, dstv, *rest):
        rbufs = rest[:NBUF]
        zerov, acc = rest[NBUF], rest[NBUF + 1]
        gsem = rest[NBUF + 2:2 * NBUF + 2]
        ssem = rest[2 * NBUF + 2:]
        c = lax.axis_index("c")
        s = lax.axis_index("s")

        _zero_fill(zerov, ZROWS, D)
        pltpu.sync_copy(dst_hbm.at[c, pl.ds(s * cpt, cpt)], dstv)

        def g_wait(b):
            pltpu.make_async_copy(
                g_hbm.at[pl.ds(0, CHUNK)], rbufs[b], gsem[b]
            ).wait()

        def s_wait(b):
            pltpu.make_async_copy(
                g_hbm.at[pl.ds(0, CHUNK)], rbufs[b], ssem[b]
            ).wait()

        for ph in range(nph):
            for k in range(rpt // ZROWS):
                pltpu.sync_copy(zerov, acc.at[pl.ds(s * rpt + k * ZROWS, ZROWS)])
            pltpu.sync_copy(src_hbm.at[ph, c, pl.ds(s * cpt, cpt)], srcv)
            plsc.subcore_barrier()

            for b in range(NBUF):
                pltpu.async_copy(g_hbm.at[srcv.at[b, 0]], rbufs[b], gsem[b])

            def body(i, _):
                base = NBUF * i
                for b in range(NBUF):
                    g_wait(b)
                    pltpu.async_copy(
                        rbufs[b], acc.at[dstv.at[base + b, 0]], ssem[b], add=True
                    )
                for b in range(NBUF):
                    s_wait(b)
                    pltpu.async_copy(
                        g_hbm.at[srcv.at[base + NBUF + b, 0]], rbufs[b], gsem[b]
                    )
                return 0
            lax.fori_loop(0, cpt // NBUF - 1, body, 0)

            for b in range(NBUF):
                g_wait(b)
                pltpu.async_copy(
                    rbufs[b], acc.at[dstv.at[cpt - NBUF + b, 0]], ssem[b], add=True
                )
            for b in range(NBUF):
                s_wait(b)
            plsc.subcore_barrier()

            pltpu.sync_copy(
                acc.at[pl.ds(s * rpt, rpt)],
                out_hbm.at[ph, c, pl.ds(s * rpt, rpt)],
            )

    return scatter_kernel


def _tc_matmul(x_ref, w1_ref, h_ref):
    h_ref[...] = jnp.dot(
        x_ref[...], w1_ref[...], preferred_element_type=jnp.float32
    )


def _make_tc_scale(n2):
    def tc_scale(h_ref, cnt_ref, gcat_ref, dinv_ref):
        deg = 1.0 + jnp.sum(
            cnt_ref[0] + cnt_ref[1], axis=-1, keepdims=True
        )
        dinv = lax.rsqrt(deg)
        g = h_ref[...] * dinv
        gcat_ref[pl.ds(0, n2)] = g[:, :D]
        gcat_ref[pl.ds(n2, n2)] = g[:, D:]
        dinv_ref[...] = dinv
    return tc_scale


def _make_tc_mid(n2):
    def tc_mid(p_ref, gcat_ref, dinv_ref, b1_ref, w2_ref, g2_ref):
        dinv = dinv_ref[...]
        za = (p_ref[0, 0] + gcat_ref[pl.ds(0, n2)]) * dinv + b1_ref[0][None, :]
        zb = (p_ref[0, 1] + gcat_ref[pl.ds(n2, n2)]) * dinv + b1_ref[1][None, :]
        za = jnp.maximum(za, 0.0)
        zb = jnp.maximum(zb, 0.0)
        g2 = (
            jnp.dot(za, w2_ref[0], preferred_element_type=jnp.float32)
            + jnp.dot(zb, w2_ref[1], preferred_element_type=jnp.float32)
        ) * dinv
        g2_ref[...] = g2
    return tc_mid


def _make_tc_last(n):
    def tc_last(q_ref, g2_ref, dinv_ref, b2_ref, o_ref):
        q = q_ref[0, 0, :n] + q_ref[0, 1, :n]
        z = (q + g2_ref[pl.ds(0, n)]) * dinv_ref[pl.ds(0, n)] + b2_ref[...][None, :]
        m = jnp.max(z, axis=-1, keepdims=True)
        lse = jnp.log(jnp.sum(jnp.exp(z - m), axis=-1, keepdims=True)) + m
        o_ref[...] = z - lse
    return tc_last


@jax.jit
def kernel(x, edge_index, W1, b1, W2, b2):
    n, f_in = x.shape
    hid = W1.shape[1]
    ncls = W2.shape[1]
    e = edge_index.shape[1]

    unit = NW * CHUNK * 8
    e_pad = -(-e // unit) * unit
    nch = e_pad // CHUNK
    unit_n = NS * ZROWS
    n2 = -(-n // unit_n) * unit_n

    src = jnp.concatenate(
        [edge_index[0], jnp.zeros((e_pad - e,), edge_index.dtype)]
    ).reshape(nch, 1, CHUNK)
    dst = jnp.concatenate(
        [edge_index[1], jnp.full((e_pad - e,), n, edge_index.dtype)]
    ).reshape(nch, 1, CHUNK)

    src_l1 = jnp.stack([src, src + n2])[None]
    dst_l1 = jnp.stack([dst, dst])
    src_l2 = src.reshape(NC, nch // NC, 1, CHUNK)[None]
    dst_l2 = dst.reshape(NC, nch // NC, 1, CHUNK)

    x2 = jnp.pad(x, ((0, n2 - n), (0, 0)))

    cnt = _make_count(n2, nch // NW)(dst)

    h = pl.pallas_call(
        _tc_matmul,
        out_shape=jax.ShapeDtypeStruct((n2, hid), jnp.float32),
    )(x2, W1)

    gcat, dinv = pl.pallas_call(
        _make_tc_scale(n2),
        out_shape=(
            jax.ShapeDtypeStruct((2 * n2, D), jnp.float32),
            jax.ShapeDtypeStruct((n2, 1), jnp.float32),
        ),
    )(h, cnt)

    p = _make_scatter(n2, nch // NS, 1)(src_l1, dst_l1, gcat)

    g2cat = pl.pallas_call(
        _make_tc_mid(n2),
        out_shape=jax.ShapeDtypeStruct((n2, ncls), jnp.float32),
    )(p, gcat, dinv, b1.reshape(2, D), W2.reshape(2, D, ncls))

    q = _make_scatter(n2, nch // NW, 1)(src_l2, dst_l2, g2cat)

    out = pl.pallas_call(
        _make_tc_last(n),
        out_shape=jax.ShapeDtypeStruct((n, ncls), jnp.float32),
    )(q, g2cat, dinv, b2)

    return out

# --- scband reference (transcript-rebuilt; emitter-appended) ---
"""Pipeline reference for scband-spatial-gcn-5755256177393 (READ-ONLY COPY).

The authoritative reference and input builder live on the scoring server;
editing this copy changes nothing except your own understanding.
"""

import jax, jax.numpy as jnp
import numpy as np

N = 10000
E = 320000
F_IN = 128
HID = 128
NCLS = 64


def setup_inputs(seed: int = 0) -> dict:
    key = jax.random.key(seed)
    k1, k2, k3, k4 = jax.random.split(key, 4)
    x = jax.random.normal(k1, (N, F_IN), dtype=jnp.float32)
    edge_index = jax.random.randint(k2, (2, E), 0, N)
    W1 = jax.random.normal(k3, (F_IN, HID), dtype=jnp.float32) * (1.0 / np.sqrt(F_IN))
    b1 = jnp.zeros((HID,), dtype=jnp.float32)
    W2 = jax.random.normal(k4, (HID, NCLS), dtype=jnp.float32) * (1.0 / np.sqrt(HID))
    b2 = jnp.zeros((NCLS,), dtype=jnp.float32)
    return {"x": x, "edge_index": edge_index, "W1": W1, "b1": b1, "W2": W2, "b2": b2}


def _gcn_conv(x, src, dst, norm, W, b, n):
    # PyG GCNConv: x' = D^{-1/2} (A+I) D^{-1/2} (x W) + b
    h = x @ W
    msg = h[src] * norm[:, None]
    out = jax.ops.segment_sum(msg, dst, num_segments=n)
    return out + b


def reference(x, edge_index, W1, b1, W2, b2):
    n = x.shape[0]
    src, dst = edge_index[0], edge_index[1]
    loop = jnp.arange(n, dtype=src.dtype)
    src2 = jnp.concatenate([src, loop])
    dst2 = jnp.concatenate([dst, loop])
    deg = jax.ops.segment_sum(jnp.ones_like(dst2, dtype=x.dtype), dst2, num_segments=n)
    dinv = jnp.where(deg > 0, jax.lax.rsqrt(deg), 0.0)
    norm = dinv[src2] * dinv[dst2]
    h = _gcn_conv(x, src2, dst2, norm, W1, b1, n)
    h = jax.nn.relu(h)
    h = _gcn_conv(h, src2, dst2, norm, W2, b2, n)
    return jax.nn.log_softmax(h, axis=1)

if __name__ == "__main__":
    import jax
    _d = setup_inputs()
    print(jax.jit(kernel)(*tuple(_d.values())))

</pallas_src>

<mosaic_0001>
#map = affine_map<(d0, d1) -> (0, 0, 0, 0, 0)>
#map1 = affine_map<(d0, d1) -> (0, 0, 0, 0)>
#map2 = affine_map<(d0, d1) -> (0, 0)>
module attributes {stable_mosaic.version = 14 : i64} {
  func.func @scatter_kernel(%arg0: i32, %arg1: i32, %arg2: memref<1x2x1280x1x128xi32, #tpu.memory_space<hbm>>, %arg3: memref<2x1280x1x128xi32, #tpu.memory_space<hbm>>, %arg4: memref<10240x64xf32, #tpu.memory_space<hbm>>, %arg5: memref<1x2x10240x64xf32, #tpu.memory_space<hbm>>, %arg6: memref<80x1x128xi32, #tpu.memory_space<vmem>>, %arg7: memref<80x1x128xi32, #tpu.memory_space<vmem>>, %arg8: memref<128x64xf32, #tpu.memory_space<vmem>>, %arg9: memref<128x64xf32, #tpu.memory_space<vmem>>, %arg10: memref<128x64xf32, #tpu.memory_space<vmem>>, %arg11: memref<10240x64xf32, #tpu.memory_space<vmem_shared>>, %arg12: memref<!tpu.dma_semaphore, #tpu.memory_space<semaphore_mem>>, %arg13: memref<!tpu.dma_semaphore, #tpu.memory_space<semaphore_mem>>, %arg14: memref<!tpu.dma_semaphore, #tpu.memory_space<semaphore_mem>>, %arg15: memref<!tpu.dma_semaphore, #tpu.memory_space<semaphore_mem>>) attributes {dimension_semantics = [#tpu.dimension_semantics<core_parallel>, #tpu.dimension_semantics<subcore_parallel>], iteration_bounds = array<i64: 2, 16>, scalar_prefetch = 0 : i64, scratch_operands = 10 : i64, tpu.core_type = #tpu.core_type<sc_vector_subcore>, window_params = [{transform_indices = #map}, {transform_indices = #map1}, {transform_indices = #map2}, {transform_indices = #map1}]} {
    %scan3A = arith.constant 0 : i32
    %scan3A_0 = arith.constant 0 : i32
    %scan3A_1 = arith.constant 128 : i32
    %scan3A_2 = arith.addi %scan3A_0, %scan3A_1 : i32
    %scan3A_3 = arith.constant 1 : i32
    %scan3A_4 = scf.for %scan3A_95 = %scan3A_0 to %scan3A_2 step %scan3A_3 iter_args(%scan3A_96 = %scan3A) -> (i32)  : i32 {
      %broadcast_in_dim3A = arith.constant 0.000000e+00 : f32
      %broadcast_in_dim3A_97 = vector.broadcast %broadcast_in_dim3A : f32 to vector<16xf32>
      %swap3A = arith.index_cast %scan3A_95 : i32 to index
      %swap3A_98 = arith.constant 0 : index
      %swap3A_99 = tpu.vector_load %arg10[%swap3A, %swap3A_98] {strides = array<i32>} : memref<128x64xf32, #tpu.memory_space<vmem>>, vector<1x16xf32>,
      %swap3A_100 = vector.shape_cast %swap3A_99 : vector<1x16xf32> to vector<16xf32>
      %swap3A_101 = vector.shape_cast %broadcast_in_dim3A_97 : vector<16xf32> to vector<1x16xf32>
      tpu.vector_store %arg10[%swap3A, %swap3A_98], %swap3A_101 {strides = array<i32>} : memref<128x64xf32, #tpu.memory_space<vmem>>, vector<1x16xf32>,
      %broadcast_in_dim3A_102 = arith.constant 0.000000e+00 : f32
      %broadcast_in_dim3A_103 = vector.broadcast %broadcast_in_dim3A_102 : f32 to vector<16xf32>
      %swap3A_104 = arith.index_cast %scan3A_95 : i32 to index
      %swap3A_105 = arith.constant 16 : index
      %swap3A_106 = tpu.vector_load %arg10[%swap3A_104, %swap3A_105] {strides = array<i32>} : memref<128x64xf32, #tpu.memory_space<vmem>>, vector<1x16xf32>,
      %swap3A_107 = vector.shape_cast %swap3A_106 : vector<1x16xf32> to vector<16xf32>
      %swap3A_108 = vector.shape_cast %broadcast_in_dim3A_103 : vector<16xf32> to vector<1x16xf32>
      tpu.vector_store %arg10[%swap3A_104, %swap3A_105], %swap3A_108 {strides = array<i32>} : memref<128x64xf32, #tpu.memory_space<vmem>>, vector<1x16xf32>,
      %broadcast_in_dim3A_109 = arith.constant 0.000000e+00 : f32
      %broadcast_in_dim3A_110 = vector.broadcast %broadcast_in_dim3A_109 : f32 to vector<16xf32>
      %swap3A_111 = arith.index_cast %scan3A_95 : i32 to index
      %swap3A_112 = arith.constant 32 : index
      %swap3A_113 = tpu.vector_load %arg10[%swap3A_111, %swap3A_112] {strides = array<i32>} : memref<128x64xf32, #tpu.memory_space<vmem>>, vector<1x16xf32>,
      %swap3A_114 = vector.shape_cast %swap3A_113 : vector<1x16xf32> to vector<16xf32>
      %swap3A_115 = vector.shape_cast %broadcast_in_dim3A_110 : vector<16xf32> to vector<1x16xf32>
      tpu.vector_store %arg10[%swap3A_111, %swap3A_112], %swap3A_115 {strides = array<i32>} : memref<128x64xf32, #tpu.memory_space<vmem>>, vector<1x16xf32>,
      %broadcast_in_dim3A_116 = arith.constant 0.000000e+00 : f32
      %broadcast_in_dim3A_117 = vector.broadcast %broadcast_in_dim3A_116 : f32 to vector<16xf32>
      %swap3A_118 = arith.index_cast %scan3A_95 : i32 to index
      %swap3A_119 = arith.constant 48 : index
      %swap3A_120 = tpu.vector_load %arg10[%swap3A_118, %swap3A_119] {strides = array<i32>} : memref<128x64xf32, #tpu.memory_space<vmem>>, vector<1x16xf32>,
      %swap3A_121 = vector.shape_cast %swap3A_120 : vector<1x16xf32> to vector<16xf32>
      %swap3A_122 = vector.shape_cast %broadcast_in_dim3A_117 : vector<16xf32> to vector<1x16xf32>
      tpu.vector_store %arg10[%swap3A_118, %swap3A_119], %swap3A_122 {strides = array<i32>} : memref<128x64xf32, #tpu.memory_space<vmem>>, vector<1x16xf32>,
      %scan3A_123 = arith.constant 0 : i32
      scf.yield %scan3A_123 : i32
    }
    %scan3A_5 = arith.constant 128 : i32
    %mul3A = arith.constant 80 : i32
    %mul3A_6 = arith.muli %arg1, %mul3A : i32
    "tpu.region"() ({
      %run_scoped3A_95 = tpu.sem_alloc : memref<!tpu.dma_semaphore, #tpu.memory_space<semaphore_mem>>
      %dma_start3A_96 = arith.constant 0 : i32
      %dma_start3A_97 = arith.constant 0 : i32
      %dma_start3A_98 = tpu.memref_slice %arg3[%arg0, %mul3A_6, %dma_start3A_96, %dma_start3A_97] : memref<2x1280x1x128xi32, #tpu.memory_space<hbm>> -> memref<1x80x1x128xi32, #tpu.memory_space<hbm>>
      %dma_start3A_99 = tpu.memref_squeeze %dma_start3A_98 : memref<1x80x1x128xi32, #tpu.memory_space<hbm>> -> memref<80x1x128xi32, #tpu.memory_space<hbm>>
      %dma_start3A_100 = arith.constant 0 : i32
      %dma_start3A_101 = arith.constant 0 : i32
      %dma_start3A_102 = tpu.memref_slice %arg3[%arg0, %mul3A_6, %dma_start3A_100, %dma_start3A_101] : memref<2x1280x1x128xi32, #tpu.memory_space<hbm>> -> memref<1x80x1x128xi32, #tpu.memory_space<hbm>>
      %dma_start3A_103 = tpu.memref_squeeze %dma_start3A_102 : memref<1x80x1x128xi32, #tpu.memory_space<hbm>> -> memref<80x1x128xi32, #tpu.memory_space<hbm>>
      tpu.enqueue_dma source(%dma_start3A_103 : memref<80x1x128xi32, #tpu.memory_space<hbm>>) target(%arg7 : memref<80x1x128xi32, #tpu.memory_space<vmem>>) target_semaphore(%run_scoped3A_95 : memref<!tpu.dma_semaphore, #tpu.memory_space<semaphore_mem>>)
      %dma_wait3A_104 = arith.constant 0 : i32
      %dma_wait3A_105 = arith.constant 0 : i32
      %dma_wait3A_106 = tpu.memref_slice %arg3[%arg0, %mul3A_6, %dma_wait3A_104, %dma_wait3A_105] : memref<2x1280x1x128xi32, #tpu.memory_space<hbm>> -> memref<1x80x1x128xi32, #tpu.memory_space<hbm>>
      %dma_wait3A_107 = tpu.memref_squeeze %dma_wait3A_106 : memref<1x80x1x128xi32, #tpu.memory_space<hbm>> -> memref<80x1x128xi32, #tpu.memory_space<hbm>>
      %dma_wait3A_108 = arith.constant 0 : i32
      %dma_wait3A_109 = arith.constant 0 : i32
      %dma_wait3A_110 = tpu.memref_slice %arg3[%arg0, %mul3A_6, %dma_wait3A_108, %dma_wait3A_109] : memref<2x1280x1x128xi32, #tpu.memory_space<hbm>> -> memref<1x80x1x128xi32, #tpu.memory_space<hbm>>
      %dma_wait3A_111 = tpu.memref_squeeze %dma_wait3A_110 : memref<1x80x1x128xi32, #tpu.memory_space<hbm>> -> memref<80x1x128xi32, #tpu.memory_space<hbm>>
      tpu.wait_dma2 semaphore(%run_scoped3A_95 : memref<!tpu.dma_semaphore, #tpu.memory_space<semaphore_mem>>) src(%dma_wait3A_111 : memref<80x1x128xi32, #tpu.memory_space<hbm>>) dst(%arg7 : memref<80x1x128xi32, #tpu.memory_space<vmem>>)
      tpu.yield
    }) : () -> ()
    %mul3A_7 = arith.constant 640 : i32
    %mul3A_8 = arith.muli %arg1, %mul3A_7 : i32
    %add3A = arith.constant 0 : i32
    %add3A_9 = arith.addi %mul3A_8, %add3A : i32
    "tpu.region"() ({
      %run_scoped3A_95 = tpu.sem_alloc : memref<!tpu.dma_semaphore, #tpu.memory_space<semaphore_mem>>
      %dma_start3A_96 = arith.constant 0 : i32
      %dma_start3A_97 = tpu.memref_slice %arg11[%add3A_9, %dma_start3A_96] : memref<10240x64xf32, #tpu.memory_space<vmem_shared>> -> memref<128x64xf32, #tpu.memory_space<vmem_shared>>
      %dma_start3A_98 = arith.constant 0 : i32
      %dma_start3A_99 = tpu.memref_slice %arg11[%add3A_9, %dma_start3A_98] : memref<10240x64xf32, #tpu.memory_space<vmem_shared>> -> memref<128x64xf32, #tpu.memory_space<vmem_shared>>
      tpu.enqueue_dma source(%arg10 : memref<128x64xf32, #tpu.memory_space<vmem>>) target(%dma_start3A_99 : memref<128x64xf32, #tpu.memory_space<vmem_shared>>) target_semaphore(%run_scoped3A_95 : memref<!tpu.dma_semaphore, #tpu.memory_space<semaphore_mem>>)
      %dma_wait3A_100 = arith.constant 0 : i32
      %dma_wait3A_101 = tpu.memref_slice %arg11[%add3A_9, %dma_wait3A_100] : memref<10240x64xf32, #tpu.memory_space<vmem_shared>> -> memref<128x64xf32, #tpu.memory_space<vmem_shared>>
      %dma_wait3A_102 = arith.constant 0 : i32
      %dma_wait3A_103 = tpu.memref_slice %arg11[%add3A_9, %dma_wait3A_102] : memref<10240x64xf32, #tpu.memory_space<vmem_shared>> -> memref<128x64xf32, #tpu.memory_space<vmem_shared>>
      tpu.wait_dma2 semaphore(%run_scoped3A_95 : memref<!tpu.dma_semaphore, #tpu.memory_space<semaphore_mem>>) src(%arg10 : memref<128x64xf32, #tpu.memory_space<vmem>>) dst(%dma_wait3A_103 : memref<128x64xf32, #tpu.memory_space<vmem_shared>>)
      tpu.yield
    }) : () -> ()
    %mul3A_10 = arith.constant 640 : i32
    %mul3A_11 = arith.muli %arg1, %mul3A_10 : i32
    %add3A_12 = arith.constant 128 : i32
    %add3A_13 = arith.addi %mul3A_11, %add3A_12 : i32
    "tpu.region"() ({
      %run_scoped3A_95 = tpu.sem_alloc : memref<!tpu.dma_semaphore, #tpu.memory_space<semaphore_mem>>
      %dma_start3A_96 = arith.constant 0 : i32
      %dma_start3A_97 = tpu.memref_slice %arg11[%add3A_13, %dma_start3A_96] : memref<10240x64xf32, #tpu.memory_space<vmem_shared>> -> memref<128x64xf32, #tpu.memory_space<vmem_shared>>
      %dma_start3A_98 = arith.constant 0 : i32
      %dma_start3A_99 = tpu.memref_slice %arg11[%add3A_13, %dma_start3A_98] : memref<10240x64xf32, #tpu.memory_space<vmem_shared>> -> memref<128x64xf32, #tpu.memory_space<vmem_shared>>
      tpu.enqueue_dma source(%arg10 : memref<128x64xf32, #tpu.memory_space<vmem>>) target(%dma_start3A_99 : memref<128x64xf32, #tpu.memory_space<vmem_shared>>) target_semaphore(%run_scoped3A_95 : memref<!tpu.dma_semaphore, #tpu.memory_space<semaphore_mem>>)
      %dma_wait3A_100 = arith.constant 0 : i32
      %dma_wait3A_101 = tpu.memref_slice %arg11[%add3A_13, %dma_wait3A_100] : memref<10240x64xf32, #tpu.memory_space<vmem_shared>> -> memref<128x64xf32, #tpu.memory_space<vmem_shared>>
      %dma_wait3A_102 = arith.constant 0 : i32
      %dma_wait3A_103 = tpu.memref_slice %arg11[%add3A_13, %dma_wait3A_102] : memref<10240x64xf32, #tpu.memory_space<vmem_shared>> -> memref<128x64xf32, #tpu.memory_space<vmem_shared>>
      tpu.wait_dma2 semaphore(%run_scoped3A_95 : memref<!tpu.dma_semaphore, #tpu.memory_space<semaphore_mem>>) src(%arg10 : memref<128x64xf32, #tpu.memory_space<vmem>>) dst(%dma_wait3A_103 : memref<128x64xf32, #tpu.memory_space<vmem_shared>>)
      tpu.yield
    }) : () -> ()
    %mul3A_14 = arith.constant 640 : i32
    %mul3A_15 = arith.muli %arg1, %mul3A_14 : i32
    %add3A_16 = arith.constant 256 : i32
    %add3A_17 = arith.addi %mul3A_15, %add3A_16 : i32
    "tpu.region"() ({
      %run_scoped3A_95 = tpu.sem_alloc : memref<!tpu.dma_semaphore, #tpu.memory_space<semaphore_mem>>
      %dma_start3A_96 = arith.constant 0 : i32
      %dma_start3A_97 = tpu.memref_slice %arg11[%add3A_17, %dma_start3A_96] : memref<10240x64xf32, #tpu.memory_space<vmem_shared>> -> memref<128x64xf32, #tpu.memory_space<vmem_shared>>
      %dma_start3A_98 = arith.constant 0 : i32
      %dma_start3A_99 = tpu.memref_slice %arg11[%add3A_17, %dma_start3A_98] : memref<10240x64xf32, #tpu.memory_space<vmem_shared>> -> memref<128x64xf32, #tpu.memory_space<vmem_shared>>
      tpu.enqueue_dma source(%arg10 : memref<128x64xf32, #tpu.memory_space<vmem>>) target(%dma_start3A_99 : memref<128x64xf32, #tpu.memory_space<vmem_shared>>) target_semaphore(%run_scoped3A_95 : memref<!tpu.dma_semaphore, #tpu.memory_space<semaphore_mem>>)
      %dma_wait3A_100 = arith.constant 0 : i32
      %dma_wait3A_101 = tpu.memref_slice %arg11[%add3A_17, %dma_wait3A_100] : memref<10240x64xf32, #tpu.memory_space<vmem_shared>> -> memref<128x64xf32, #tpu.memory_space<vmem_shared>>
      %dma_wait3A_102 = arith.constant 0 : i32
      %dma_wait3A_103 = tpu.memref_slice %arg11[%add3A_17, %dma_wait3A_102] : memref<10240x64xf32, #tpu.memory_space<vmem_shared>> -> memref<128x64xf32, #tpu.memory_space<vmem_shared>>
      tpu.wait_dma2 semaphore(%run_scoped3A_95 : memref<!tpu.dma_semaphore, #tpu.memory_space<semaphore_mem>>) src(%arg10 : memref<128x64xf32, #tpu.memory_space<vmem>>) dst(%dma_wait3A_103 : memref<128x64xf32, #tpu.memory_space<vmem_shared>>)
      tpu.yield
    }) : () -> ()
    %mul3A_18 = arith.constant 640 : i32
    %mul3A_19 = arith.muli %arg1, %mul3A_18 : i32
    %add3A_20 = arith.constant 384 : i32
    %add3A_21 = arith.addi %mul3A_19, %add3A_20 : i32
    "tpu.region"() ({
      %run_scoped3A_95 = tpu.sem_alloc : memref<!tpu.dma_semaphore, #tpu.memory_space<semaphore_mem>>
      %dma_start3A_96 = arith.constant 0 : i32
      %dma_start3A_97 = tpu.memref_slice %arg11[%add3A_21, %dma_start3A_96] : memref<10240x64xf32, #tpu.memory_space<vmem_shared>> -> memref<128x64xf32, #tpu.memory_space<vmem_shared>>
      %dma_start3A_98 = arith.constant 0 : i32
      %dma_start3A_99 = tpu.memref_slice %arg11[%add3A_21, %dma_start3A_98] : memref<10240x64xf32, #tpu.memory_space<vmem_shared>> -> memref<128x64xf32, #tpu.memory_space<vmem_shared>>
      tpu.enqueue_dma source(%arg10 : memref<128x64xf32, #tpu.memory_space<vmem>>) target(%dma_start3A_99 : memref<128x64xf32, #tpu.memory_space<vmem_shared>>) target_semaphore(%run_scoped3A_95 : memref<!tpu.dma_semaphore, #tpu.memory_space<semaphore_mem>>)
      %dma_wait3A_100 = arith.constant 0 : i32
      %dma_wait3A_101 = tpu.memref_slice %arg11[%add3A_21, %dma_wait3A_100] : memref<10240x64xf32, #tpu.memory_space<vmem_shared>> -> memref<128x64xf32, #tpu.memory_space<vmem_shared>>
      %dma_wait3A_102 = arith.constant 0 : i32
      %dma_wait3A_103 = tpu.memref_slice %arg11[%add3A_21, %dma_wait3A_102] : memref<10240x64xf32, #tpu.memory_space<vmem_shared>> -> memref<128x64xf32, #tpu.memory_space<vmem_shared>>
      tpu.wait_dma2 semaphore(%run_scoped3A_95 : memref<!tpu.dma_semaphore, #tpu.memory_space<semaphore_mem>>) src(%arg10 : memref<128x64xf32, #tpu.memory_space<vmem>>) dst(%dma_wait3A_103 : memref<128x64xf32, #tpu.memory_space<vmem_shared>>)
      tpu.yield
    }) : () -> ()
    %mul3A_22 = arith.constant 640 : i32
    %mul3A_23 = arith.muli %arg1, %mul3A_22 : i32
    %add3A_24 = arith.constant 512 : i32
    %add3A_25 = arith.addi %mul3A_23, %add3A_24 : i32
    "tpu.region"() ({
      %run_scoped3A_95 = tpu.sem_alloc : memref<!tpu.dma_semaphore, #tpu.memory_space<semaphore_mem>>
      %dma_start3A_96 = arith.constant 0 : i32
      %dma_start3A_97 = tpu.memref_slice %arg11[%add3A_25, %dma_start3A_96] : memref<10240x64xf32, #tpu.memory_space<vmem_shared>> -> memref<128x64xf32, #tpu.memory_space<vmem_shared>>
      %dma_start3A_98 = arith.constant 0 : i32
      %dma_start3A_99 = tpu.memref_slice %arg11[%add3A_25, %dma_start3A_98] : memref<10240x64xf32, #tpu.memory_space<vmem_shared>> -> memref<128x64xf32, #tpu.memory_space<vmem_shared>>
      tpu.enqueue_dma source(%arg10 : memref<128x64xf32, #tpu.memory_space<vmem>>) target(%dma_start3A_99 : memref<128x64xf32, #tpu.memory_space<vmem_shared>>) target_semaphore(%run_scoped3A_95 : memref<!tpu.dma_semaphore, #tpu.memory_space<semaphore_mem>>)
      %dma_wait3A_100 = arith.constant 0 : i32
      %dma_wait3A_101 = tpu.memref_slice %arg11[%add3A_25, %dma_wait3A_100] : memref<10240x64xf32, #tpu.memory_space<vmem_shared>> -> memref<128x64xf32, #tpu.memory_space<vmem_shared>>
      %dma_wait3A_102 = arith.constant 0 : i32
      %dma_wait3A_103 = tpu.memref_slice %arg11[%add3A_25, %dma_wait3A_102] : memref<10240x64xf32, #tpu.memory_space<vmem_shared>> -> memref<128x64xf32, #tpu.memory_space<vmem_shared>>
      tpu.wait_dma2 semaphore(%run_scoped3A_95 : memref<!tpu.dma_semaphore, #tpu.memory_space<semaphore_mem>>) src(%arg10 : memref<128x64xf32, #tpu.memory_space<vmem>>) dst(%dma_wait3A_103 : memref<128x64xf32, #tpu.memory_space<vmem_shared>>)
      tpu.yield
    }) : () -> ()
    %mul3A_26 = arith.constant 80 : i32
    %mul3A_27 = arith.muli %arg1, %mul3A_26 : i32
    %run_scoped3A = arith.constant 0 : i32
    "tpu.region"() ({
      %run_scoped3A_95 = tpu.sem_alloc : memref<!tpu.dma_semaphore, #tpu.memory_space<semaphore_mem>>
      %dma_start3A_96 = arith.constant 0 : i32
      %dma_start3A_97 = arith.constant 0 : i32
      %dma_start3A_98 = tpu.memref_slice %arg2[%run_scoped3A, %arg0, %mul3A_27, %dma_start3A_96, %dma_start3A_97] : memref<1x2x1280x1x128xi32, #tpu.memory_space<hbm>> -> memref<1x1x80x1x128xi32, #tpu.memory_space<hbm>>
      %dma_start3A_99 = tpu.memref_squeeze %dma_start3A_98 : memref<1x1x80x1x128xi32, #tpu.memory_space<hbm>> -> memref<80x1x128xi32, #tpu.memory_space<hbm>>
      %dma_start3A_100 = arith.constant 0 : i32
      %dma_start3A_101 = arith.constant 0 : i32
      %dma_start3A_102 = tpu.memref_slice %arg2[%run_scoped3A, %arg0, %mul3A_27, %dma_start3A_100, %dma_start3A_101] : memref<1x2x1280x1x128xi32, #tpu.memory_space<hbm>> -> memref<1x1x80x1x128xi32, #tpu.memory_space<hbm>>
      %dma_start3A_103 = tpu.memref_squeeze %dma_start3A_102 : memref<1x1x80x1x128xi32, #tpu.memory_space<hbm>> -> memref<80x1x128xi32, #tpu.memory_space<hbm>>
      tpu.enqueue_dma source(%dma_start3A_103 : memref<80x1x128xi32, #tpu.memory_space<hbm>>) target(%arg6 : memref<80x1x128xi32, #tpu.memory_space<vmem>>) target_semaphore(%run_scoped3A_95 : memref<!tpu.dma_semaphore, #tpu.memory_space<semaphore_mem>>)
      %dma_wait3A_104 = arith.constant 0 : i32
      %dma_wait3A_105 = arith.constant 0 : i32
      %dma_wait3A_106 = tpu.memref_slice %arg2[%run_scoped3A, %arg0, %mul3A_27, %dma_wait3A_104, %dma_wait3A_105] : memref<1x2x1280x1x128xi32, #tpu.memory_space<hbm>> -> memref<1x1x80x1x128xi32, #tpu.memory_space<hbm>>
      %dma_wait3A_107 = tpu.memref_squeeze %dma_wait3A_106 : memref<1x1x80x1x128xi32, #tpu.memory_space<hbm>> -> memref<80x1x128xi32, #tpu.memory_space<hbm>>
      %dma_wait3A_108 = arith.constant 0 : i32
      %dma_wait3A_109 = arith.constant 0 : i32
      %dma_wait3A_110 = tpu.memref_slice %arg2[%run_scoped3A, %arg0, %mul3A_27, %dma_wait3A_108, %dma_wait3A_109] : memref<1x2x1280x1x128xi32, #tpu.memory_space<hbm>> -> memref<1x1x80x1x128xi32, #tpu.memory_space<hbm>>
      %dma_wait3A_111 = tpu.memref_squeeze %dma_wait3A_110 : memref<1x1x80x1x128xi32, #tpu.memory_space<hbm>> -> memref<80x1x128xi32, #tpu.memory_space<hbm>>
      tpu.wait_dma2 semaphore(%run_scoped3A_95 : memref<!tpu.dma_semaphore, #tpu.memory_space<semaphore_mem>>) src(%dma_wait3A_111 : memref<80x1x128xi32, #tpu.memory_space<hbm>>) dst(%arg6 : memref<80x1x128xi32, #tpu.memory_space<vmem>>)
      tpu.yield
    }) : () -> ()
    %barrier3A = arith.constant 0 : index
    tpu.barrier barrier_id(%barrier3A)
    %dma_start3A = arith.constant 0 : i32
    %dma_start3A_28 = arith.constant 0 : i32
    %dma_start3A_29 = arith.constant 0 : i32
    %dma_start3A_30 = tpu.memref_slice %arg6[%dma_start3A, %dma_start3A_28, %dma_start3A_29] : memref<80x1x128xi32, #tpu.memory_space<vmem>> -> memref<1x1x128xi32, #tpu.memory_space<vmem>>
    %dma_start3A_31 = tpu.memref_squeeze %dma_start3A_30 : memref<1x1x128xi32, #tpu.memory_space<vmem>> -> memref<128xi32, #tpu.memory_space<vmem>>
    %dma_start3A_32 = arith.constant 0 : i32
    %dma_start3A_33 = arith.constant 0 : i32
    %dma_start3A_34 = tpu.memref_slice %arg4[%dma_start3A_32, %dma_start3A_33] : memref<10240x64xf32, #tpu.memory_space<hbm>> -> memref<10240x64xf32, #tpu.memory_space<hbm>>
    tpu.enqueue_indirect_dma source(%dma_start3A_34 : memref<10240x64xf32, #tpu.memory_space<hbm>>) target(%arg8 : memref<128x64xf32, #tpu.memory_space<vmem>>) offsets(%dma_start3A_31 : memref<128xi32, #tpu.memory_space<vmem>>) semaphore(%arg12 : memref<!tpu.dma_semaphore, #tpu.memory_space<semaphore_mem>>)
    %dma_start3A_35 = arith.constant 1 : i32
    %dma_start3A_36 = arith.constant 0 : i32
    %dma_start3A_37 = arith.constant 0 : i32
    %dma_start3A_38 = tpu.memref_slice %arg6[%dma_start3A_35, %dma_start3A_36, %dma_start3A_37] : memref<80x1x128xi32, #tpu.memory_space<vmem>> -> memref<1x1x128xi32, #tpu.memory_space<vmem>>
    %dma_start3A_39 = tpu.memref_squeeze %dma_start3A_38 : memref<1x1x128xi32, #tpu.memory_space<vmem>> -> memref<128xi32, #tpu.memory_space<vmem>>
    %dma_start3A_40 = arith.constant 0 : i32
    %dma_start3A_41 = arith.constant 0 : i32
    %dma_start3A_42 = tpu.memref_slice %arg4[%dma_start3A_40, %dma_start3A_41] : memref<10240x64xf32, #tpu.memory_space<hbm>> -> memref<10240x64xf32, #tpu.memory_space<hbm>>
    tpu.enqueue_indirect_dma source(%dma_start3A_42 : memref<10240x64xf32, #tpu.memory_space<hbm>>) target(%arg9 : memref<128x64xf32, #tpu.memory_space<vmem>>) offsets(%dma_start3A_39 : memref<128xi32, #tpu.memory_space<vmem>>) semaphore(%arg13 : memref<!tpu.dma_semaphore, #tpu.memory_space<semaphore_mem>>)
    %scan3A_43 = arith.constant 0 : i32
    %scan3A_44 = arith.constant 0 : i32
    %scan3A_45 = arith.constant 39 : i32
    %scan3A_46 = arith.addi %scan3A_44, %scan3A_45 : i32
    %scan3A_47 = arith.constant 1 : i32
    %scan3A_48 = scf.for %scan3A_95 = %scan3A_44 to %scan3A_46 step %scan3A_47 iter_args(%scan3A_96 = %scan3A_43) -> (i32)  : i32 {
      %mul3A_97 = arith.constant 2 : i32
      %mul3A_98 = arith.muli %mul3A_97, %scan3A_95 : i32
      %dma_wait3A_99 = arith.constant 0 : i32
      %dma_wait3A_100 = arith.constant 0 : i32
      %dma_wait3A_101 = tpu.memref_slice %arg4[%dma_wait3A_99, %dma_wait3A_100] : memref<10240x64xf32, #tpu.memory_space<hbm>> -> memref<128x64xf32, #tpu.memory_space<hbm>>
      %dma_wait3A_102 = arith.constant 0 : i32
      %dma_wait3A_103 = arith.constant 0 : i32
      %dma_wait3A_104 = tpu.memref_slice %arg4[%dma_wait3A_102, %dma_wait3A_103] : memref<10240x64xf32, #tpu.memory_space<hbm>> -> memref<128x64xf32, #tpu.memory_space<hbm>>
      tpu.wait_dma2 semaphore(%arg12 : memref<!tpu.dma_semaphore, #tpu.memory_space<semaphore_mem>>) src(%dma_wait3A_104 : memref<128x64xf32, #tpu.memory_space<hbm>>) dst(%arg8 : memref<128x64xf32, #tpu.memory_space<vmem>>)
      %add3A_105 = arith.constant 0 : i32
      %add3A_106 = arith.addi %mul3A_98, %add3A_105 : i32
      %dma_start3A_107 = arith.constant 0 : i32
      %dma_start3A_108 = arith.constant 0 : i32
      %dma_start3A_109 = tpu.memref_slice %arg7[%add3A_106, %dma_start3A_107, %dma_start3A_108] : memref<80x1x128xi32, #tpu.memory_space<vmem>> -> memref<1x1x128xi32, #tpu.memory_space<vmem>>
      %dma_start3A_110 = tpu.memref_squeeze %dma_start3A_109 : memref<1x1x128xi32, #tpu.memory_space<vmem>> -> memref<128xi32, #tpu.memory_space<vmem>>
      %dma_start3A_111 = arith.constant 0 : i32
      %dma_start3A_112 = arith.constant 0 : i32
      %dma_start3A_113 = tpu.memref_slice %arg11[%dma_start3A_111, %dma_start3A_112] : memref<10240x64xf32, #tpu.memory_space<vmem_shared>> -> memref<10240x64xf32, #tpu.memory_space<vmem_shared>>
      tpu.enqueue_indirect_dma source(%arg8 : memref<128x64xf32, #tpu.memory_space<vmem>>) target(%dma_start3A_113 : memref<10240x64xf32, #tpu.memory_space<vmem_shared>>) offsets(%dma_start3A_110 : memref<128xi32, #tpu.memory_space<vmem>>) semaphore(%arg14 : memref<!tpu.dma_semaphore, #tpu.memory_space<semaphore_mem>>) {add = true}
      %dma_wait3A_114 = arith.constant 0 : i32
      %dma_wait3A_115 = arith.constant 0 : i32
      %dma_wait3A_116 = tpu.memref_slice %arg4[%dma_wait3A_114, %dma_wait3A_115] : memref<10240x64xf32, #tpu.memory_space<hbm>> -> memref<128x64xf32, #tpu.memory_space<hbm>>
      %dma_wait3A_117 = arith.constant 0 : i32
      %dma_wait3A_118 = arith.constant 0 : i32
      %dma_wait3A_119 = tpu.memref_slice %arg4[%dma_wait3A_117, %dma_wait3A_118] : memref<10240x64xf32, #tpu.memory_space<hbm>> -> memref<128x64xf32, #tpu.memory_space<hbm>>
      tpu.wait_dma2 semaphore(%arg13 : memref<!tpu.dma_semaphore, #tpu.memory_space<semaphore_mem>>) src(%dma_wait3A_119 : memref<128x64xf32, #tpu.memory_space<hbm>>) dst(%arg9 : memref<128x64xf32, #tpu.memory_space<vmem>>)
      %add3A_120 = arith.constant 1 : i32
      %add3A_121 = arith.addi %mul3A_98, %add3A_120 : i32
      %dma_start3A_122 = arith.constant 0 : i32
      %dma_start3A_123 = arith.constant 0 : i32
      %dma_start3A_124 = tpu.memref_slice %arg7[%add3A_121, %dma_start3A_122, %dma_start3A_123] : memref<80x1x128xi32, #tpu.memory_space<vmem>> -> memref<1x1x128xi32, #tpu.memory_space<vmem>>
      %dma_start3A_125 = tpu.memref_squeeze %dma_start3A_124 : memref<1x1x128xi32, #tpu.memory_space<vmem>> -> memref<128xi32, #tpu.memory_space<vmem>>
      %dma_start3A_126 = arith.constant 0 : i32
      %dma_start3A_127 = arith.constant 0 : i32
      %dma_start3A_128 = tpu.memref_slice %arg11[%dma_start3A_126, %dma_start3A_127] : memref<10240x64xf32, #tpu.memory_space<vmem_shared>> -> memref<10240x64xf32, #tpu.memory_space<vmem_shared>>
      tpu.enqueue_indirect_dma source(%arg9 : memref<128x64xf32, #tpu.memory_space<vmem>>) target(%dma_start3A_128 : memref<10240x64xf32, #tpu.memory_space<vmem_shared>>) offsets(%dma_start3A_125 : memref<128xi32, #tpu.memory_space<vmem>>) semaphore(%arg15 : memref<!tpu.dma_semaphore, #tpu.memory_space<semaphore_mem>>) {add = true}
      %dma_wait3A_129 = arith.constant 0 : i32
      %dma_wait3A_130 = arith.constant 0 : i32
      %dma_wait3A_131 = tpu.memref_slice %arg4[%dma_wait3A_129, %dma_wait3A_130] : memref<10240x64xf32, #tpu.memory_space<hbm>> -> memref<128x64xf32, #tpu.memory_space<hbm>>
      %dma_wait3A_132 = arith.constant 0 : i32
      %dma_wait3A_133 = arith.constant 0 : i32
      %dma_wait3A_134 = tpu.memref_slice %arg4[%dma_wait3A_132, %dma_wait3A_133] : memref<10240x64xf32, #tpu.memory_space<hbm>> -> memref<128x64xf32, #tpu.memory_space<hbm>>
      tpu.wait_dma2 semaphore(%arg14 : memref<!tpu.dma_semaphore, #tpu.memory_space<semaphore_mem>>) src(%dma_wait3A_134 : memref<128x64xf32, #tpu.memory_space<hbm>>) dst(%arg8 : memref<128x64xf32, #tpu.memory_space<vmem>>)
      %add3A_135 = arith.constant 2 : i32
      %add3A_136 = arith.addi %mul3A_98, %add3A_135 : i32
      %add3A_137 = arith.constant 0 : i32
      %add3A_138 = arith.addi %add3A_136, %add3A_137 : i32
      %dma_start3A_139 = arith.constant 0 : i32
      %dma_start3A_140 = arith.constant 0 : i32
      %dma_start3A_141 = tpu.memref_slice %arg6[%add3A_138, %dma_start3A_139, %dma_start3A_140] : memref<80x1x128xi32, #tpu.memory_space<vmem>> -> memref<1x1x128xi32, #tpu.memory_space<vmem>>
      %dma_start3A_142 = tpu.memref_squeeze %dma_start3A_141 : memref<1x1x128xi32, #tpu.memory_space<vmem>> -> memref<128xi32, #tpu.memory_space<vmem>>
      %dma_start3A_143 = arith.constant 0 : i32
      %dma_start3A_144 = arith.constant 0 : i32
      %dma_start3A_145 = tpu.memref_slice %arg4[%dma_start3A_143, %dma_start3A_144] : memref<10240x64xf32, #tpu.memory_space<hbm>> -> memref<10240x64xf32, #tpu.memory_space<hbm>>
      tpu.enqueue_indirect_dma source(%dma_start3A_145 : memref<10240x64xf32, #tpu.memory_space<hbm>>) target(%arg8 : memref<128x64xf32, #tpu.memory_space<vmem>>) offsets(%dma_start3A_142 : memref<128xi32, #tpu.memory_space<vmem>>) semaphore(%arg12 : memref<!tpu.dma_semaphore, #tpu.memory_space<semaphore_mem>>)
      %dma_wait3A_146 = arith.constant 0 : i32
      %dma_wait3A_147 = arith.constant 0 : i32
      %dma_wait3A_148 = tpu.memref_slice %arg4[%dma_wait3A_146, %dma_wait3A_147] : memref<10240x64xf32, #tpu.memory_space<hbm>> -> memref<128x64xf32, #tpu.memory_space<hbm>>
      %dma_wait3A_149 = arith.constant 0 : i32
      %dma_wait3A_150 = arith.constant 0 : i32
      %dma_wait3A_151 = tpu.memref_slice %arg4[%dma_wait3A_149, %dma_wait3A_150] : memref<10240x64xf32, #tpu.memory_space<hbm>> -> memref<128x64xf32, #tpu.memory_space<hbm>>
      tpu.wait_dma2 semaphore(%arg15 : memref<!tpu.dma_semaphore, #tpu.memory_space<semaphore_mem>>) src(%dma_wait3A_151 : memref<128x64xf32, #tpu.memory_space<hbm>>) dst(%arg9 : memref<128x64xf32, #tpu.memory_space<vmem>>)
      %add3A_152 = arith.constant 2 : i32
      %add3A_153 = arith.addi %mul3A_98, %add3A_152 : i32
      %add3A_154 = arith.constant 1 : i32
      %add3A_155 = arith.addi %add3A_153, %add3A_154 : i32
      %dma_start3A_156 = arith.constant 0 : i32
      %dma_start3A_157 = arith.constant 0 : i32
      %dma_start3A_158 = tpu.memref_slice %arg6[%add3A_155, %dma_start3A_156, %dma_start3A_157] : memref<80x1x128xi32, #tpu.memory_space<vmem>> -> memref<1x1x128xi32, #tpu.memory_space<vmem>>
      %dma_start3A_159 = tpu.memref_squeeze %dma_start3A_158 : memref<1x1x128xi32, #tpu.memory_space<vmem>> -> memref<128xi32, #tpu.memory_space<vmem>>
      %dma_start3A_160 = arith.constant 0 : i32
      %dma_start3A_161 = arith.constant 0 : i32
      %dma_start3A_162 = tpu.memref_slice %arg4[%dma_start3A_160, %dma_start3A_161] : memref<10240x64xf32, #tpu.memory_space<hbm>> -> memref<10240x64xf32, #tpu.memory_space<hbm>>
      tpu.enqueue_indirect_dma source(%dma_start3A_162 : memref<10240x64xf32, #tpu.memory_space<hbm>>) target(%arg9 : memref<128x64xf32, #tpu.memory_space<vmem>>) offsets(%dma_start3A_159 : memref<128xi32, #tpu.memory_space<vmem>>) semaphore(%arg13 : memref<!tpu.dma_semaphore, #tpu.memory_space<semaphore_mem>>)
      %scan3A_163 = arith.constant 0 : i32
      scf.yield %scan3A_163 : i32
    }
    %scan3A_49 = arith.constant 39 : i32
    %dma_wait3A = arith.constant 0 : i32
    %dma_wait3A_50 = arith.constant 0 : i32
    %dma_wait3A_51 = tpu.memref_slice %arg4[%dma_wait3A, %dma_wait3A_50] : memref<10240x64xf32, #tpu.memory_space<hbm>> -> memref<128x64xf32, #tpu.memory_space<hbm>>
    %dma_wait3A_52 = arith.constant 0 : i32
    %dma_wait3A_53 = arith.constant 0 : i32
    %dma_wait3A_54 = tpu.memref_slice %arg4[%dma_wait3A_52, %dma_wait3A_53] : memref<10240x64xf32, #tpu.memory_space<hbm>> -> memref<128x64xf32, #tpu.memory_space<hbm>>
    tpu.wait_dma2 semaphore(%arg12 : memref<!tpu.dma_semaphore, #tpu.memory_space<semaphore_mem>>) src(%dma_wait3A_54 : memref<128x64xf32, #tpu.memory_space<hbm>>) dst(%arg8 : memref<128x64xf32, #tpu.memory_space<vmem>>)
    %dma_start3A_55 = arith.constant 78 : i32
    %dma_start3A_56 = arith.constant 0 : i32
    %dma_start3A_57 = arith.constant 0 : i32
    %dma_start3A_58 = tpu.memref_slice %arg7[%dma_start3A_55, %dma_start3A_56, %dma_start3A_57] : memref<80x1x128xi32, #tpu.memory_space<vmem>> -> memref<1x1x128xi32, #tpu.memory_space<vmem>>
    %dma_start3A_59 = tpu.memref_squeeze %dma_start3A_58 : memref<1x1x128xi32, #tpu.memory_space<vmem>> -> memref<128xi32, #tpu.memory_space<vmem>>
    %dma_start3A_60 = arith.constant 0 : i32
    %dma_start3A_61 = arith.constant 0 : i32
    %dma_start3A_62 = tpu.memref_slice %arg11[%dma_start3A_60, %dma_start3A_61] : memref<10240x64xf32, #tpu.memory_space<vmem_shared>> -> memref<10240x64xf32, #tpu.memory_space<vmem_shared>>
    tpu.enqueue_indirect_dma source(%arg8 : memref<128x64xf32, #tpu.memory_space<vmem>>) target(%dma_start3A_62 : memref<10240x64xf32, #tpu.memory_space<vmem_shared>>) offsets(%dma_start3A_59 : memref<128xi32, #tpu.memory_space<vmem>>) semaphore(%arg14 : memref<!tpu.dma_semaphore, #tpu.memory_space<semaphore_mem>>) {add = true}
    %dma_wait3A_63 = arith.constant 0 : i32
    %dma_wait3A_64 = arith.constant 0 : i32
    %dma_wait3A_65 = tpu.memref_slice %arg4[%dma_wait3A_63, %dma_wait3A_64] : memref<10240x64xf32, #tpu.memory_space<hbm>> -> memref<128x64xf32, #tpu.memory_space<hbm>>
    %dma_wait3A_66 = arith.constant 0 : i32
    %dma_wait3A_67 = arith.constant 0 : i32
    %dma_wait3A_68 = tpu.memref_slice %arg4[%dma_wait3A_66, %dma_wait3A_67] : memref<10240x64xf32, #tpu.memory_space<hbm>> -> memref<128x64xf32, #tpu.memory_space<hbm>>
    tpu.wait_dma2 semaphore(%arg13 : memref<!tpu.dma_semaphore, #tpu.memory_space<semaphore_mem>>) src(%dma_wait3A_68 : memref<128x64xf32, #tpu.memory_space<hbm>>) dst(%arg9 : memref<128x64xf32, #tpu.memory_space<vmem>>)
    %dma_start3A_69 = arith.constant 79 : i32
    %dma_start3A_70 = arith.constant 0 : i32
    %dma_start3A_71 = arith.constant 0 : i32
    %dma_start3A_72 = tpu.memref_slice %arg7[%dma_start3A_69, %dma_start3A_70, %dma_start3A_71] : memref<80x1x128xi32, #tpu.memory_space<vmem>> -> memref<1x1x128xi32, #tpu.memory_space<vmem>>
    %dma_start3A_73 = tpu.memref_squeeze %dma_start3A_72 : memref<1x1x128xi32, #tpu.memory_space<vmem>> -> memref<128xi32, #tpu.memory_space<vmem>>
    %dma_start3A_74 = arith.constant 0 : i32
    %dma_start3A_75 = arith.constant 0 : i32
    %dma_start3A_76 = tpu.memref_slice %arg11[%dma_start3A_74, %dma_start3A_75] : memref<10240x64xf32, #tpu.memory_space<vmem_shared>> -> memref<10240x64xf32, #tpu.memory_space<vmem_shared>>
    tpu.enqueue_indirect_dma source(%arg9 : memref<128x64xf32, #tpu.memory_space<vmem>>) target(%dma_start3A_76 : memref<10240x64xf32, #tpu.memory_space<vmem_shared>>) offsets(%dma_start3A_73 : memref<128xi32, #tpu.memory_space<vmem>>) semaphore(%arg15 : memref<!tpu.dma_semaphore, #tpu.memory_space<semaphore_mem>>) {add = true}
    %dma_wait3A_77 = arith.constant 0 : i32
    %dma_wait3A_78 = arith.constant 0 : i32
    %dma_wait3A_79 = tpu.memref_slice %arg4[%dma_wait3A_77, %dma_wait3A_78] : memref<10240x64xf32, #tpu.memory_space<hbm>> -> memref<128x64xf32, #tpu.memory_space<hbm>>
    %dma_wait3A_80 = arith.constant 0 : i32
    %dma_wait3A_81 = arith.constant 0 : i32
    %dma_wait3A_82 = tpu.memref_slice %arg4[%dma_wait3A_80, %dma_wait3A_81] : memref<10240x64xf32, #tpu.memory_space<hbm>> -> memref<128x64xf32, #tpu.memory_space<hbm>>
    tpu.wait_dma2 semaphore(%arg14 : memref<!tpu.dma_semaphore, #tpu.memory_space<semaphore_mem>>) src(%dma_wait3A_82 : memref<128x64xf32, #tpu.memory_space<hbm>>) dst(%arg8 : memref<128x64xf32, #tpu.memory_space<vmem>>)
    %dma_wait3A_83 = arith.constant 0 : i32
    %dma_wait3A_84 = arith.constant 0 : i32
    %dma_wait3A_85 = tpu.memref_slice %arg4[%dma_wait3A_83, %dma_wait3A_84] : memref<10240x64xf32, #tpu.memory_space<hbm>> -> memref<128x64xf32, #tpu.memory_space<hbm>>
    %dma_wait3A_86 = arith.constant 0 : i32
    %dma_wait3A_87 = arith.constant 0 : i32
    %dma_wait3A_88 = tpu.memref_slice %arg4[%dma_wait3A_86, %dma_wait3A_87] : memref<10240x64xf32, #tpu.memory_space<hbm>> -> memref<128x64xf32, #tpu.memory_space<hbm>>
    tpu.wait_dma2 semaphore(%arg15 : memref<!tpu.dma_semaphore, #tpu.memory_space<semaphore_mem>>) src(%dma_wait3A_88 : memref<128x64xf32, #tpu.memory_space<hbm>>) dst(%arg9 : memref<128x64xf32, #tpu.memory_space<vmem>>)
    %barrier3A_89 = arith.constant 0 : index
    tpu.barrier barrier_id(%barrier3A_89)
    %mul3A_90 = arith.constant 640 : i32
    %mul3A_91 = arith.muli %arg1, %mul3A_90 : i32
    %mul3A_92 = arith.constant 640 : i32
    %mul3A_93 = arith.muli %arg1, %mul3A_92 : i32
    %run_scoped3A_94 = arith.constant 0 : i32
    "tpu.region"() ({
      %run_scoped3A_95 = tpu.sem_alloc : memref<!tpu.dma_semaphore, #tpu.memory_space<semaphore_mem>>
      %dma_start3A_96 = arith.constant 0 : i32
      %dma_start3A_97 = tpu.memref_slice %arg5[%run_scoped3A_94, %arg0, %mul3A_93, %dma_start3A_96] : memref<1x2x10240x64xf32, #tpu.memory_space<hbm>> -> memref<1x1x640x64xf32, #tpu.memory_space<hbm>>
      %dma_start3A_98 = tpu.memref_squeeze %dma_start3A_97 : memref<1x1x640x64xf32, #tpu.memory_space<hbm>> -> memref<640x64xf32, #tpu.memory_space<hbm>>
      %dma_start3A_99 = arith.constant 0 : i32
      %dma_start3A_100 = tpu.memref_slice %arg11[%mul3A_91, %dma_start3A_99] : memref<10240x64xf32, #tpu.memory_space<vmem_shared>> -> memref<640x64xf32, #tpu.memory_space<vmem_shared>>
      tpu.enqueue_dma source(%dma_start3A_100 : memref<640x64xf32, #tpu.memory_space<vmem_shared>>) target(%dma_start3A_98 : memref<640x64xf32, #tpu.memory_space<hbm>>) target_semaphore(%run_scoped3A_95 : memref<!tpu.dma_semaphore, #tpu.memory_space<semaphore_mem>>)
      %dma_wait3A_101 = arith.constant 0 : i32
      %dma_wait3A_102 = tpu.memref_slice %arg5[%run_scoped3A_94, %arg0, %mul3A_93, %dma_wait3A_101] : memref<1x2x10240x64xf32, #tpu.memory_space<hbm>> -> memref<1x1x640x64xf32, #tpu.memory_space<hbm>>
      %dma_wait3A_103 = tpu.memref_squeeze %dma_wait3A_102 : memref<1x1x640x64xf32, #tpu.memory_space<hbm>> -> memref<640x64xf32, #tpu.memory_space<hbm>>
      %dma_wait3A_104 = arith.constant 0 : i32
      %dma_wait3A_105 = tpu.memref_slice %arg11[%mul3A_91, %dma_wait3A_104] : memref<10240x64xf32, #tpu.memory_space<vmem_shared>> -> memref<640x64xf32, #tpu.memory_space<vmem_shared>>
      tpu.wait_dma2 semaphore(%run_scoped3A_95 : memref<!tpu.dma_semaphore, #tpu.memory_space<semaphore_mem>>) src(%dma_wait3A_105 : memref<640x64xf32, #tpu.memory_space<vmem_shared>>) dst(%dma_wait3A_103 : memref<640x64xf32, #tpu.memory_space<hbm>>)
      tpu.yield
    }) : () -> ()
    return
  }
}

#map = affine_map<(d0, d1) -> (0, 0, 0)>
module attributes {stable_mosaic.version = 14 : i64} {
  func.func @count_kernel(%arg0: i32, %arg1: i32, %arg2: memref<2560x1x128xi32, #tpu.memory_space<hbm>>, %arg3: memref<2x10240x16xf32, #tpu.memory_space<hbm>>, %arg4: memref<80x1x128xi32, #tpu.memory_space<vmem>>, %arg5: memref<128x16xf32, #tpu.memory_space<vmem>>, %arg6: memref<128x16xf32, #tpu.memory_space<vmem>>, %arg7: memref<10240x16xf32, #tpu.memory_space<vmem_shared>>) attributes {dimension_semantics = [#tpu.dimension_semantics<core_parallel>, #tpu.dimension_semantics<subcore_parallel>], iteration_bounds = array<i64: 2, 16>, scalar_prefetch = 0 : i64, scratch_operands = 4 : i64, tpu.core_type = #tpu.core_type<sc_vector_subcore>, window_params = [{transform_indices = #map}, {transform_indices = #map}]} {
    %scan3A = arith.constant 0 : i32
    %scan3A_0 = arith.constant 0 : i32
    %scan3A_1 = arith.constant 128 : i32
    %scan3A_2 = arith.addi %scan3A_0, %scan3A_1 : i32
    %scan3A_3 = arith.constant 1 : i32
    %scan3A_4 = scf.for %scan3A_48 = %scan3A_0 to %scan3A_2 step %scan3A_3 iter_args(%scan3A_49 = %scan3A) -> (i32)  : i32 {
      %broadcast_in_dim3A = arith.constant 6.250000e-02 : f32
      %broadcast_in_dim3A_50 = vector.broadcast %broadcast_in_dim3A : f32 to vector<16xf32>
      %swap3A = arith.index_cast %scan3A_48 : i32 to index
      %swap3A_51 = arith.constant 0 : index
      %swap3A_52 = tpu.vector_load %arg5[%swap3A, %swap3A_51] {strides = array<i32>} : memref<128x16xf32, #tpu.memory_space<vmem>>, vector<1x16xf32>,
      %swap3A_53 = vector.shape_cast %swap3A_52 : vector<1x16xf32> to vector<16xf32>
      %swap3A_54 = vector.shape_cast %broadcast_in_dim3A_50 : vector<16xf32> to vector<1x16xf32>
      tpu.vector_store %arg5[%swap3A, %swap3A_51], %swap3A_54 {strides = array<i32>} : memref<128x16xf32, #tpu.memory_space<vmem>>, vector<1x16xf32>,
      %scan3A_55 = arith.constant 0 : i32
      scf.yield %scan3A_55 : i32
    }
    %scan3A_5 = arith.constant 128 : i32
    %scan3A_6 = arith.constant 0 : i32
    %scan3A_7 = arith.constant 0 : i32
    %scan3A_8 = arith.constant 128 : i32
    %scan3A_9 = arith.addi %scan3A_7, %scan3A_8 : i32
    %scan3A_10 = arith.constant 1 : i32
    %scan3A_11 = scf.for %scan3A_48 = %scan3A_7 to %scan3A_9 step %scan3A_10 iter_args(%scan3A_49 = %scan3A_6) -> (i32)  : i32 {
      %broadcast_in_dim3A = arith.constant 0.000000e+00 : f32
      %broadcast_in_dim3A_50 = vector.broadcast %broadcast_in_dim3A : f32 to vector<16xf32>
      %swap3A = arith.index_cast %scan3A_48 : i32 to index
      %swap3A_51 = arith.constant 0 : index
      %swap3A_52 = tpu.vector_load %arg6[%swap3A, %swap3A_51] {strides = array<i32>} : memref<128x16xf32, #tpu.memory_space<vmem>>, vector<1x16xf32>,
      %swap3A_53 = vector.shape_cast %swap3A_52 : vector<1x16xf32> to vector<16xf32>
      %swap3A_54 = vector.shape_cast %broadcast_in_dim3A_50 : vector<16xf32> to vector<1x16xf32>
      tpu.vector_store %arg6[%swap3A, %swap3A_51], %swap3A_54 {strides = array<i32>} : memref<128x16xf32, #tpu.memory_space<vmem>>, vector<1x16xf32>,
      %scan3A_55 = arith.constant 0 : i32
      scf.yield %scan3A_55 : i32
    }
    %scan3A_12 = arith.constant 128 : i32
    %mul3A = arith.constant 640 : i32
    %mul3A_13 = arith.muli %arg1, %mul3A : i32
    %add3A = arith.constant 0 : i32
    %add3A_14 = arith.addi %mul3A_13, %add3A : i32
    "tpu.region"() ({
      %run_scoped3A = tpu.sem_alloc : memref<!tpu.dma_semaphore, #tpu.memory_space<semaphore_mem>>
      %dma_start3A = arith.constant 0 : i32
      %dma_start3A_48 = tpu.memref_slice %arg7[%add3A_14, %dma_start3A] : memref<10240x16xf32, #tpu.memory_space<vmem_shared>> -> memref<128x16xf32, #tpu.memory_space<vmem_shared>>
      %dma_start3A_49 = arith.constant 0 : i32
      %dma_start3A_50 = tpu.memref_slice %arg7[%add3A_14, %dma_start3A_49] : memref<10240x16xf32, #tpu.memory_space<vmem_shared>> -> memref<128x16xf32, #tpu.memory_space<vmem_shared>>
      tpu.enqueue_dma source(%arg6 : memref<128x16xf32, #tpu.memory_space<vmem>>) target(%dma_start3A_50 : memref<128x16xf32, #tpu.memory_space<vmem_shared>>) target_semaphore(%run_scoped3A : memref<!tpu.dma_semaphore, #tpu.memory_space<semaphore_mem>>)
      %dma_wait3A = arith.constant 0 : i32
      %dma_wait3A_51 = tpu.memref_slice %arg7[%add3A_14, %dma_wait3A] : memref<10240x16xf32, #tpu.memory_space<vmem_shared>> -> memref<128x16xf32, #tpu.memory_space<vmem_shared>>
      %dma_wait3A_52 = arith.constant 0 : i32
      %dma_wait3A_53 = tpu.memref_slice %arg7[%add3A_14, %dma_wait3A_52] : memref<10240x16xf32, #tpu.memory_space<vmem_shared>> -> memref<128x16xf32, #tpu.memory_space<vmem_shared>>
      tpu.wait_dma2 semaphore(%run_scoped3A : memref<!tpu.dma_semaphore, #tpu.memory_space<semaphore_mem>>) src(%arg6 : memref<128x16xf32, #tpu.memory_space<vmem>>) dst(%dma_wait3A_53 : memref<128x16xf32, #tpu.memory_space<vmem_shared>>)
      tpu.yield
    }) : () -> ()
    %mul3A_15 = arith.constant 640 : i32
    %mul3A_16 = arith.muli %arg1, %mul3A_15 : i32
    %add3A_17 = arith.constant 128 : i32
    %add3A_18 = arith.addi %mul3A_16, %add3A_17 : i32
    "tpu.region"() ({
      %run_scoped3A = tpu.sem_alloc : memref<!tpu.dma_semaphore, #tpu.memory_space<semaphore_mem>>
      %dma_start3A = arith.constant 0 : i32
      %dma_start3A_48 = tpu.memref_slice %arg7[%add3A_18, %dma_start3A] : memref<10240x16xf32, #tpu.memory_space<vmem_shared>> -> memref<128x16xf32, #tpu.memory_space<vmem_shared>>
      %dma_start3A_49 = arith.constant 0 : i32
      %dma_start3A_50 = tpu.memref_slice %arg7[%add3A_18, %dma_start3A_49] : memref<10240x16xf32, #tpu.memory_space<vmem_shared>> -> memref<128x16xf32, #tpu.memory_space<vmem_shared>>
      tpu.enqueue_dma source(%arg6 : memref<128x16xf32, #tpu.memory_space<vmem>>) target(%dma_start3A_50 : memref<128x16xf32, #tpu.memory_space<vmem_shared>>) target_semaphore(%run_scoped3A : memref<!tpu.dma_semaphore, #tpu.memory_space<semaphore_mem>>)
      %dma_wait3A = arith.constant 0 : i32
      %dma_wait3A_51 = tpu.memref_slice %arg7[%add3A_18, %dma_wait3A] : memref<10240x16xf32, #tpu.memory_space<vmem_shared>> -> memref<128x16xf32, #tpu.memory_space<vmem_shared>>
      %dma_wait3A_52 = arith.constant 0 : i32
      %dma_wait3A_53 = tpu.memref_slice %arg7[%add3A_18, %dma_wait3A_52] : memref<10240x16xf32, #tpu.memory_space<vmem_shared>> -> memref<128x16xf32, #tpu.memory_space<vmem_shared>>
      tpu.wait_dma2 semaphore(%run_scoped3A : memref<!tpu.dma_semaphore, #tpu.memory_space<semaphore_mem>>) src(%arg6 : memref<128x16xf32, #tpu.memory_space<vmem>>) dst(%dma_wait3A_53 : memref<128x16xf32, #tpu.memory_space<vmem_shared>>)
      tpu.yield
    }) : () -> ()
    %mul3A_19 = arith.constant 640 : i32
    %mul3A_20 = arith.muli %arg1, %mul3A_19 : i32
    %add3A_21 = arith.constant 256 : i32
    %add3A_22 = arith.addi %mul3A_20, %add3A_21 : i32
    "tpu.region"() ({
      %run_scoped3A = tpu.sem_alloc : memref<!tpu.dma_semaphore, #tpu.memory_space<semaphore_mem>>
      %dma_start3A = arith.constant 0 : i32
      %dma_start3A_48 = tpu.memref_slice %arg7[%add3A_22, %dma_start3A] : memref<10240x16xf32, #tpu.memory_space<vmem_shared>> -> memref<128x16xf32, #tpu.memory_space<vmem_shared>>
      %dma_start3A_49 = arith.constant 0 : i32
      %dma_start3A_50 = tpu.memref_slice %arg7[%add3A_22, %dma_start3A_49] : memref<10240x16xf32, #tpu.memory_space<vmem_shared>> -> memref<128x16xf32, #tpu.memory_space<vmem_shared>>
      tpu.enqueue_dma source(%arg6 : memref<128x16xf32, #tpu.memory_space<vmem>>) target(%dma_start3A_50 : memref<128x16xf32, #tpu.memory_space<vmem_shared>>) target_semaphore(%run_scoped3A : memref<!tpu.dma_semaphore, #tpu.memory_space<semaphore_mem>>)
      %dma_wait3A = arith.constant 0 : i32
      %dma_wait3A_51 = tpu.memref_slice %arg7[%add3A_22, %dma_wait3A] : memref<10240x16xf32, #tpu.memory_space<vmem_shared>> -> memref<128x16xf32, #tpu.memory_space<vmem_shared>>
      %dma_wait3A_52 = arith.constant 0 : i32
      %dma_wait3A_53 = tpu.memref_slice %arg7[%add3A_22, %dma_wait3A_52] : memref<10240x16xf32, #tpu.memory_space<vmem_shared>> -> memref<128x16xf32, #tpu.memory_space<vmem_shared>>
      tpu.wait_dma2 semaphore(%run_scoped3A : memref<!tpu.dma_semaphore, #tpu.memory_space<semaphore_mem>>) src(%arg6 : memref<128x16xf32, #tpu.memory_space<vmem>>) dst(%dma_wait3A_53 : memref<128x16xf32, #tpu.memory_space<vmem_shared>>)
      tpu.yield
    }) : () -> ()
    %mul3A_23 = arith.constant 640 : i32
    %mul3A_24 = arith.muli %arg1, %mul3A_23 : i32
    %add3A_25 = arith.constant 384 : i32
    %add3A_26 = arith.addi %mul3A_24, %add3A_25 : i32
    "tpu.region"() ({
      %run_scoped3A = tpu.sem_alloc : memref<!tpu.dma_semaphore, #tpu.memory_space<semaphore_mem>>
      %dma_start3A = arith.constant 0 : i32
      %dma_start3A_48 = tpu.memref_slice %arg7[%add3A_26, %dma_start3A] : memref<10240x16xf32, #tpu.memory_space<vmem_shared>> -> memref<128x16xf32, #tpu.memory_space<vmem_shared>>
      %dma_start3A_49 = arith.constant 0 : i32
      %dma_start3A_50 = tpu.memref_slice %arg7[%add3A_26, %dma_start3A_49] : memref<10240x16xf32, #tpu.memory_space<vmem_shared>> -> memref<128x16xf32, #tpu.memory_space<vmem_shared>>
      tpu.enqueue_dma source(%arg6 : memref<128x16xf32, #tpu.memory_space<vmem>>) target(%dma_start3A_50 : memref<128x16xf32, #tpu.memory_space<vmem_shared>>) target_semaphore(%run_scoped3A : memref<!tpu.dma_semaphore, #tpu.memory_space<semaphore_mem>>)
      %dma_wait3A = arith.constant 0 : i32
      %dma_wait3A_51 = tpu.memref_slice %arg7[%add3A_26, %dma_wait3A] : memref<10240x16xf32, #tpu.memory_space<vmem_shared>> -> memref<128x16xf32, #tpu.memory_space<vmem_shared>>
      %dma_wait3A_52 = arith.constant 0 : i32
      %dma_wait3A_53 = tpu.memref_slice %arg7[%add3A_26, %dma_wait3A_52] : memref<10240x16xf32, #tpu.memory_space<vmem_shared>> -> memref<128x16xf32, #tpu.memory_space<vmem_shared>>
      tpu.wait_dma2 semaphore(%run_scoped3A : memref<!tpu.dma_semaphore, #tpu.memory_space<semaphore_mem>>) src(%arg6 : memref<128x16xf32, #tpu.memory_space<vmem>>) dst(%dma_wait3A_53 : memref<128x16xf32, #tpu.memory_space<vmem_shared>>)
      tpu.yield
    }) : () -> ()
    %mul3A_27 = arith.constant 640 : i32
    %mul3A_28 = arith.muli %arg1, %mul3A_27 : i32
    %add3A_29 = arith.constant 512 : i32
    %add3A_30 = arith.addi %mul3A_28, %add3A_29 : i32
    "tpu.region"() ({
      %run_scoped3A = tpu.sem_alloc : memref<!tpu.dma_semaphore, #tpu.memory_space<semaphore_mem>>
      %dma_start3A = arith.constant 0 : i32
      %dma_start3A_48 = tpu.memref_slice %arg7[%add3A_30, %dma_start3A] : memref<10240x16xf32, #tpu.memory_space<vmem_shared>> -> memref<128x16xf32, #tpu.memory_space<vmem_shared>>
      %dma_start3A_49 = arith.constant 0 : i32
      %dma_start3A_50 = tpu.memref_slice %arg7[%add3A_30, %dma_start3A_49] : memref<10240x16xf32, #tpu.memory_space<vmem_shared>> -> memref<128x16xf32, #tpu.memory_space<vmem_shared>>
      tpu.enqueue_dma source(%arg6 : memref<128x16xf32, #tpu.memory_space<vmem>>) target(%dma_start3A_50 : memref<128x16xf32, #tpu.memory_space<vmem_shared>>) target_semaphore(%run_scoped3A : memref<!tpu.dma_semaphore, #tpu.memory_space<semaphore_mem>>)
      %dma_wait3A = arith.constant 0 : i32
      %dma_wait3A_51 = tpu.memref_slice %arg7[%add3A_30, %dma_wait3A] : memref<10240x16xf32, #tpu.memory_space<vmem_shared>> -> memref<128x16xf32, #tpu.memory_space<vmem_shared>>
      %dma_wait3A_52 = arith.constant 0 : i32
      %dma_wait3A_53 = tpu.memref_slice %arg7[%add3A_30, %dma_wait3A_52] : memref<10240x16xf32, #tpu.memory_space<vmem_shared>> -> memref<128x16xf32, #tpu.memory_space<vmem_shared>>
      tpu.wait_dma2 semaphore(%run_scoped3A : memref<!tpu.dma_semaphore, #tpu.memory_space<semaphore_mem>>) src(%arg6 : memref<128x16xf32, #tpu.memory_space<vmem>>) dst(%dma_wait3A_53 : memref<128x16xf32, #tpu.memory_space<vmem_shared>>)
      tpu.yield
    }) : () -> ()
    %barrier3A = arith.constant 0 : index
    tpu.barrier barrier_id(%barrier3A)
    %mul3A_31 = arith.constant 16 : i32
    %mul3A_32 = arith.muli %arg0, %mul3A_31 : i32
    %add3A_33 = arith.addi %mul3A_32, %arg1 : i32
    %mul3A_34 = arith.constant 80 : i32
    %mul3A_35 = arith.muli %add3A_33, %mul3A_34 : i32
    "tpu.region"() ({
      %run_scoped3A = tpu.sem_alloc : memref<!tpu.dma_semaphore, #tpu.memory_space<semaphore_mem>>
      %dma_start3A = arith.constant 0 : i32
      %dma_start3A_48 = arith.constant 0 : i32
      %dma_start3A_49 = tpu.memref_slice %arg2[%mul3A_35, %dma_start3A, %dma_start3A_48] : memref<2560x1x128xi32, #tpu.memory_space<hbm>> -> memref<80x1x128xi32, #tpu.memory_space<hbm>>
      %dma_start3A_50 = arith.constant 0 : i32
      %dma_start3A_51 = arith.constant 0 : i32
      %dma_start3A_52 = tpu.memref_slice %arg2[%mul3A_35, %dma_start3A_50, %dma_start3A_51] : memref<2560x1x128xi32, #tpu.memory_space<hbm>> -> memref<80x1x128xi32, #tpu.memory_space<hbm>>
      tpu.enqueue_dma source(%dma_start3A_52 : memref<80x1x128xi32, #tpu.memory_space<hbm>>) target(%arg4 : memref<80x1x128xi32, #tpu.memory_space<vmem>>) target_semaphore(%run_scoped3A : memref<!tpu.dma_semaphore, #tpu.memory_space<semaphore_mem>>)
      %dma_wait3A = arith.constant 0 : i32
      %dma_wait3A_53 = arith.constant 0 : i32
      %dma_wait3A_54 = tpu.memref_slice %arg2[%mul3A_35, %dma_wait3A, %dma_wait3A_53] : memref<2560x1x128xi32, #tpu.memory_space<hbm>> -> memref<80x1x128xi32, #tpu.memory_space<hbm>>
      %dma_wait3A_55 = arith.constant 0 : i32
      %dma_wait3A_56 = arith.constant 0 : i32
      %dma_wait3A_57 = tpu.memref_slice %arg2[%mul3A_35, %dma_wait3A_55, %dma_wait3A_56] : memref<2560x1x128xi32, #tpu.memory_space<hbm>> -> memref<80x1x128xi32, #tpu.memory_space<hbm>>
      tpu.wait_dma2 semaphore(%run_scoped3A : memref<!tpu.dma_semaphore, #tpu.memory_space<semaphore_mem>>) src(%dma_wait3A_57 : memref<80x1x128xi32, #tpu.memory_space<hbm>>) dst(%arg4 : memref<80x1x128xi32, #tpu.memory_space<vmem>>)
      tpu.yield
    }) : () -> ()
    %scan3A_36 = arith.constant 0 : i32
    %scan3A_37 = arith.constant 0 : i32
    %scan3A_38 = arith.constant 80 : i32
    %scan3A_39 = arith.addi %scan3A_37, %scan3A_38 : i32
    %scan3A_40 = arith.constant 1 : i32
    %scan3A_41 = scf.for %scan3A_48 = %scan3A_37 to %scan3A_39 step %scan3A_40 iter_args(%scan3A_49 = %scan3A_36) -> (i32)  : i32 {
      %run_scoped3A = arith.constant 0 : i32
      "tpu.region"() ({
        %run_scoped3A_51 = tpu.sem_alloc : memref<!tpu.dma_semaphore, #tpu.memory_space<semaphore_mem>>
        %dma_start3A = arith.constant 0 : i32
        %dma_start3A_52 = tpu.memref_slice %arg4[%scan3A_48, %run_scoped3A, %dma_start3A] : memref<80x1x128xi32, #tpu.memory_space<vmem>> -> memref<1x1x128xi32, #tpu.memory_space<vmem>>
        %dma_start3A_53 = tpu.memref_squeeze %dma_start3A_52 : memref<1x1x128xi32, #tpu.memory_space<vmem>> -> memref<128xi32, #tpu.memory_space<vmem>>
        %dma_start3A_54 = arith.constant 0 : i32
        %dma_start3A_55 = arith.constant 0 : i32
        %dma_start3A_56 = tpu.memref_slice %arg7[%dma_start3A_54, %dma_start3A_55] : memref<10240x16xf32, #tpu.memory_space<vmem_shared>> -> memref<10240x16xf32, #tpu.memory_space<vmem_shared>>
        tpu.enqueue_indirect_dma source(%arg5 : memref<128x16xf32, #tpu.memory_space<vmem>>) target(%dma_start3A_56 : memref<10240x16xf32, #tpu.memory_space<vmem_shared>>) offsets(%dma_start3A_53 : memref<128xi32, #tpu.memory_space<vmem>>) semaphore(%run_scoped3A_51 : memref<!tpu.dma_semaphore, #tpu.memory_space<semaphore_mem>>) {add = true}
        %dma_wait3A = arith.constant 0 : i32
        %dma_wait3A_57 = tpu.memref_slice %arg4[%scan3A_48, %run_scoped3A, %dma_wait3A] : memref<80x1x128xi32, #tpu.memory_space<vmem>> -> memref<1x1x128xi32, #tpu.memory_space<vmem>>
        %dma_wait3A_58 = tpu.memref_squeeze %dma_wait3A_57 : memref<1x1x128xi32, #tpu.memory_space<vmem>> -> memref<128xi32, #tpu.memory_space<vmem>>
        %dma_wait3A_59 = arith.constant 0 : i32
        %dma_wait3A_60 = arith.constant 0 : i32
        %dma_wait3A_61 = tpu.memref_slice %arg7[%dma_wait3A_59, %dma_wait3A_60] : memref<10240x16xf32, #tpu.memory_space<vmem_shared>> -> memref<10240x16xf32, #tpu.memory_space<vmem_shared>>
        tpu.wait_indirect_dma semaphore(%run_scoped3A_51 : memref<!tpu.dma_semaphore, #tpu.memory_space<semaphore_mem>>) src(%arg5 : memref<128x16xf32, #tpu.memory_space<vmem>>) dst(%dma_wait3A_61 : memref<10240x16xf32, #tpu.memory_space<vmem_shared>>)
        tpu.yield
      }) : () -> ()
      %scan3A_50 = arith.constant 0 : i32
      scf.yield %scan3A_50 : i32
    }
    %scan3A_42 = arith.constant 80 : i32
    %barrier3A_43 = arith.constant 0 : index
    tpu.barrier barrier_id(%barrier3A_43)
    %mul3A_44 = arith.constant 640 : i32
    %mul3A_45 = arith.muli %arg1, %mul3A_44 : i32
    %mul3A_46 = arith.constant 640 : i32
    %mul3A_47 = arith.muli %arg1, %mul3A_46 : i32
    "tpu.region"() ({
      %run_scoped3A = tpu.sem_alloc : memref<!tpu.dma_semaphore, #tpu.memory_space<semaphore_mem>>
      %dma_start3A = arith.constant 0 : i32
      %dma_start3A_48 = tpu.memref_slice %arg3[%arg0, %mul3A_47, %dma_start3A] : memref<2x10240x16xf32, #tpu.memory_space<hbm>> -> memref<1x640x16xf32, #tpu.memory_space<hbm>>
      %dma_start3A_49 = tpu.memref_squeeze %dma_start3A_48 : memref<1x640x16xf32, #tpu.memory_space<hbm>> -> memref<640x16xf32, #tpu.memory_space<hbm>>
      %dma_start3A_50 = arith.constant 0 : i32
      %dma_start3A_51 = tpu.memref_slice %arg7[%mul3A_45, %dma_start3A_50] : memref<10240x16xf32, #tpu.memory_space<vmem_shared>> -> memref<640x16xf32, #tpu.memory_space<vmem_shared>>
      tpu.enqueue_dma source(%dma_start3A_51 : memref<640x16xf32, #tpu.memory_space<vmem_shared>>) target(%dma_start3A_49 : memref<640x16xf32, #tpu.memory_space<hbm>>) target_semaphore(%run_scoped3A : memref<!tpu.dma_semaphore, #tpu.memory_space<semaphore_mem>>)
      %dma_wait3A = arith.constant 0 : i32
      %dma_wait3A_52 = tpu.memref_slice %arg3[%arg0, %mul3A_47, %dma_wait3A] : memref<2x10240x16xf32, #tpu.memory_space<hbm>> -> memref<1x640x16xf32, #tpu.memory_space<hbm>>
      %dma_wait3A_53 = tpu.memref_squeeze %dma_wait3A_52 : memref<1x640x16xf32, #tpu.memory_space<hbm>> -> memref<640x16xf32, #tpu.memory_space<hbm>>
      %dma_wait3A_54 = arith.constant 0 : i32
      %dma_wait3A_55 = tpu.memref_slice %arg7[%mul3A_45, %dma_wait3A_54] : memref<10240x16xf32, #tpu.memory_space<vmem_shared>> -> memref<640x16xf32, #tpu.memory_space<vmem_shared>>
      tpu.wait_dma2 semaphore(%run_scoped3A : memref<!tpu.dma_semaphore, #tpu.memory_space<semaphore_mem>>) src(%dma_wait3A_55 : memref<640x16xf32, #tpu.memory_space<vmem_shared>>) dst(%dma_wait3A_53 : memref<640x16xf32, #tpu.memory_space<hbm>>)
      tpu.yield
    }) : () -> ()
    return
  }
}

#map = affine_map<(d0, d1) -> (0, 0, 0, 0, 0)>
#map1 = affine_map<(d0, d1) -> (0, 0, 0, 0)>
#map2 = affine_map<(d0, d1) -> (0, 0)>
module attributes {stable_mosaic.version = 14 : i64} {
  func.func @scatter_kernel(%arg0: i32, %arg1: i32, %arg2: memref<1x2x2560x1x128xi32, #tpu.memory_space<hbm>>, %arg3: memref<2x2560x1x128xi32, #tpu.memory_space<hbm>>, %arg4: memref<20480x64xf32, #tpu.memory_space<hbm>>, %arg5: memref<1x2x10240x64xf32, #tpu.memory_space<hbm>>, %arg6: memref<160x1x128xi32, #tpu.memory_space<vmem>>, %arg7: memref<160x1x128xi32, #tpu.memory_space<vmem>>, %arg8: memref<128x64xf32, #tpu.memory_space<vmem>>, %arg9: memref<128x64xf32, #tpu.memory_space<vmem>>, %arg10: memref<128x64xf32, #tpu.memory_space<vmem>>, %arg11: memref<10240x64xf32, #tpu.memory_space<vmem_shared>>, %arg12: memref<!tpu.dma_semaphore, #tpu.memory_space<semaphore_mem>>, %arg13: memref<!tpu.dma_semaphore, #tpu.memory_space<semaphore_mem>>, %arg14: memref<!tpu.dma_semaphore, #tpu.memory_space<semaphore_mem>>, %arg15: memref<!tpu.dma_semaphore, #tpu.memory_space<semaphore_mem>>) attributes {dimension_semantics = [#tpu.dimension_semantics<core_parallel>, #tpu.dimension_semantics<subcore_parallel>], iteration_bounds = array<i64: 2, 16>, scalar_prefetch = 0 : i64, scratch_operands = 10 : i64, tpu.core_type = #tpu.core_type<sc_vector_subcore>, window_params = [{transform_indices = #map}, {transform_indices = #map1}, {transform_indices = #map2}, {transform_indices = #map1}]} {
    %scan3A = arith.constant 0 : i32
    %scan3A_0 = arith.constant 0 : i32
    %scan3A_1 = arith.constant 128 : i32
    %scan3A_2 = arith.addi %scan3A_0, %scan3A_1 : i32
    %scan3A_3 = arith.constant 1 : i32
    %scan3A_4 = scf.for %scan3A_95 = %scan3A_0 to %scan3A_2 step %scan3A_3 iter_args(%scan3A_96 = %scan3A) -> (i32)  : i32 {
      %broadcast_in_dim3A = arith.constant 0.000000e+00 : f32
      %broadcast_in_dim3A_97 = vector.broadcast %broadcast_in_dim3A : f32 to vector<16xf32>
      %swap3A = arith.index_cast %scan3A_95 : i32 to index
      %swap3A_98 = arith.constant 0 : index
      %swap3A_99 = tpu.vector_load %arg10[%swap3A, %swap3A_98] {strides = array<i32>} : memref<128x64xf32, #tpu.memory_space<vmem>>, vector<1x16xf32>,
      %swap3A_100 = vector.shape_cast %swap3A_99 : vector<1x16xf32> to vector<16xf32>
      %swap3A_101 = vector.shape_cast %broadcast_in_dim3A_97 : vector<16xf32> to vector<1x16xf32>
      tpu.vector_store %arg10[%swap3A, %swap3A_98], %swap3A_101 {strides = array<i32>} : memref<128x64xf32, #tpu.memory_space<vmem>>, vector<1x16xf32>,
      %broadcast_in_dim3A_102 = arith.constant 0.000000e+00 : f32
      %broadcast_in_dim3A_103 = vector.broadcast %broadcast_in_dim3A_102 : f32 to vector<16xf32>
      %swap3A_104 = arith.index_cast %scan3A_95 : i32 to index
      %swap3A_105 = arith.constant 16 : index
      %swap3A_106 = tpu.vector_load %arg10[%swap3A_104, %swap3A_105] {strides = array<i32>} : memref<128x64xf32, #tpu.memory_space<vmem>>, vector<1x16xf32>,
      %swap3A_107 = vector.shape_cast %swap3A_106 : vector<1x16xf32> to vector<16xf32>
      %swap3A_108 = vector.shape_cast %broadcast_in_dim3A_103 : vector<16xf32> to vector<1x16xf32>
      tpu.vector_store %arg10[%swap3A_104, %swap3A_105], %swap3A_108 {strides = array<i32>} : memref<128x64xf32, #tpu.memory_space<vmem>>, vector<1x16xf32>,
      %broadcast_in_dim3A_109 = arith.constant 0.000000e+00 : f32
      %broadcast_in_dim3A_110 = vector.broadcast %broadcast_in_dim3A_109 : f32 to vector<16xf32>
      %swap3A_111 = arith.index_cast %scan3A_95 : i32 to index
      %swap3A_112 = arith.constant 32 : index
      %swap3A_113 = tpu.vector_load %arg10[%swap3A_111, %swap3A_112] {strides = array<i32>} : memref<128x64xf32, #tpu.memory_space<vmem>>, vector<1x16xf32>,
      %swap3A_114 = vector.shape_cast %swap3A_113 : vector<1x16xf32> to vector<16xf32>
      %swap3A_115 = vector.shape_cast %broadcast_in_dim3A_110 : vector<16xf32> to vector<1x16xf32>
      tpu.vector_store %arg10[%swap3A_111, %swap3A_112], %swap3A_115 {strides = array<i32>} : memref<128x64xf32, #tpu.memory_space<vmem>>, vector<1x16xf32>,
      %broadcast_in_dim3A_116 = arith.constant 0.000000e+00 : f32
      %broadcast_in_dim3A_117 = vector.broadcast %broadcast_in_dim3A_116 : f32 to vector<16xf32>
      %swap3A_118 = arith.index_cast %scan3A_95 : i32 to index
      %swap3A_119 = arith.constant 48 : index
      %swap3A_120 = tpu.vector_load %arg10[%swap3A_118, %swap3A_119] {strides = array<i32>} : memref<128x64xf32, #tpu.memory_space<vmem>>, vector<1x16xf32>,
      %swap3A_121 = vector.shape_cast %swap3A_120 : vector<1x16xf32> to vector<16xf32>
      %swap3A_122 = vector.shape_cast %broadcast_in_dim3A_117 : vector<16xf32> to vector<1x16xf32>
      tpu.vector_store %arg10[%swap3A_118, %swap3A_119], %swap3A_122 {strides = array<i32>} : memref<128x64xf32, #tpu.memory_space<vmem>>, vector<1x16xf32>,
      %scan3A_123 = arith.constant 0 : i32
      scf.yield %scan3A_123 : i32
    }
    %scan3A_5 = arith.constant 128 : i32
    %mul3A = arith.constant 160 : i32
    %mul3A_6 = arith.muli %arg1, %mul3A : i32
    "tpu.region"() ({
      %run_scoped3A_95 = tpu.sem_alloc : memref<!tpu.dma_semaphore, #tpu.memory_space<semaphore_mem>>
      %dma_start3A_96 = arith.constant 0 : i32
      %dma_start3A_97 = arith.constant 0 : i32
      %dma_start3A_98 = tpu.memref_slice %arg3[%arg0, %mul3A_6, %dma_start3A_96, %dma_start3A_97] : memref<2x2560x1x128xi32, #tpu.memory_space<hbm>> -> memref<1x160x1x128xi32, #tpu.memory_space<hbm>>
      %dma_start3A_99 = tpu.memref_squeeze %dma_start3A_98 : memref<1x160x1x128xi32, #tpu.memory_space<hbm>> -> memref<160x1x128xi32, #tpu.memory_space<hbm>>
      %dma_start3A_100 = arith.constant 0 : i32
      %dma_start3A_101 = arith.constant 0 : i32
      %dma_start3A_102 = tpu.memref_slice %arg3[%arg0, %mul3A_6, %dma_start3A_100, %dma_start3A_101] : memref<2x2560x1x128xi32, #tpu.memory_space<hbm>> -> memref<1x160x1x128xi32, #tpu.memory_space<hbm>>
      %dma_start3A_103 = tpu.memref_squeeze %dma_start3A_102 : memref<1x160x1x128xi32, #tpu.memory_space<hbm>> -> memref<160x1x128xi32, #tpu.memory_space<hbm>>
      tpu.enqueue_dma source(%dma_start3A_103 : memref<160x1x128xi32, #tpu.memory_space<hbm>>) target(%arg7 : memref<160x1x128xi32, #tpu.memory_space<vmem>>) target_semaphore(%run_scoped3A_95 : memref<!tpu.dma_semaphore, #tpu.memory_space<semaphore_mem>>)
      %dma_wait3A_104 = arith.constant 0 : i32
      %dma_wait3A_105 = arith.constant 0 : i32
      %dma_wait3A_106 = tpu.memref_slice %arg3[%arg0, %mul3A_6, %dma_wait3A_104, %dma_wait3A_105] : memref<2x2560x1x128xi32, #tpu.memory_space<hbm>> -> memref<1x160x1x128xi32, #tpu.memory_space<hbm>>
      %dma_wait3A_107 = tpu.memref_squeeze %dma_wait3A_106 : memref<1x160x1x128xi32, #tpu.memory_space<hbm>> -> memref<160x1x128xi32, #tpu.memory_space<hbm>>
      %dma_wait3A_108 = arith.constant 0 : i32
      %dma_wait3A_109 = arith.constant 0 : i32
      %dma_wait3A_110 = tpu.memref_slice %arg3[%arg0, %mul3A_6, %dma_wait3A_108, %dma_wait3A_109] : memref<2x2560x1x128xi32, #tpu.memory_space<hbm>> -> memref<1x160x1x128xi32, #tpu.memory_space<hbm>>
      %dma_wait3A_111 = tpu.memref_squeeze %dma_wait3A_110 : memref<1x160x1x128xi32, #tpu.memory_space<hbm>> -> memref<160x1x128xi32, #tpu.memory_space<hbm>>
      tpu.wait_dma2 semaphore(%run_scoped3A_95 : memref<!tpu.dma_semaphore, #tpu.memory_space<semaphore_mem>>) src(%dma_wait3A_111 : memref<160x1x128xi32, #tpu.memory_space<hbm>>) dst(%arg7 : memref<160x1x128xi32, #tpu.memory_space<vmem>>)
      tpu.yield
    }) : () -> ()
    %mul3A_7 = arith.constant 640 : i32
    %mul3A_8 = arith.muli %arg1, %mul3A_7 : i32
    %add3A = arith.constant 0 : i32
    %add3A_9 = arith.addi %mul3A_8, %add3A : i32
    "tpu.region"() ({
      %run_scoped3A_95 = tpu.sem_alloc : memref<!tpu.dma_semaphore, #tpu.memory_space<semaphore_mem>>
      %dma_start3A_96 = arith.constant 0 : i32
      %dma_start3A_97 = tpu.memref_slice %arg11[%add3A_9, %dma_start3A_96] : memref<10240x64xf32, #tpu.memory_space<vmem_shared>> -> memref<128x64xf32, #tpu.memory_space<vmem_shared>>
      %dma_start3A_98 = arith.constant 0 : i32
      %dma_start3A_99 = tpu.memref_slice %arg11[%add3A_9, %dma_start3A_98] : memref<10240x64xf32, #tpu.memory_space<vmem_shared>> -> memref<128x64xf32, #tpu.memory_space<vmem_shared>>
      tpu.enqueue_dma source(%arg10 : memref<128x64xf32, #tpu.memory_space<vmem>>) target(%dma_start3A_99 : memref<128x64xf32, #tpu.memory_space<vmem_shared>>) target_semaphore(%run_scoped3A_95 : memref<!tpu.dma_semaphore, #tpu.memory_space<semaphore_mem>>)
      %dma_wait3A_100 = arith.constant 0 : i32
      %dma_wait3A_101 = tpu.memref_slice %arg11[%add3A_9, %dma_wait3A_100] : memref<10240x64xf32, #tpu.memory_space<vmem_shared>> -> memref<128x64xf32, #tpu.memory_space<vmem_shared>>
      %dma_wait3A_102 = arith.constant 0 : i32
      %dma_wait3A_103 = tpu.memref_slice %arg11[%add3A_9, %dma_wait3A_102] : memref<10240x64xf32, #tpu.memory_space<vmem_shared>> -> memref<128x64xf32, #tpu.memory_space<vmem_shared>>
      tpu.wait_dma2 semaphore(%run_scoped3A_95 : memref<!tpu.dma_semaphore, #tpu.memory_space<semaphore_mem>>) src(%arg10 : memref<128x64xf32, #tpu.memory_space<vmem>>) dst(%dma_wait3A_103 : memref<128x64xf32, #tpu.memory_space<vmem_shared>>)
      tpu.yield
    }) : () -> ()
    %mul3A_10 = arith.constant 640 : i32
    %mul3A_11 = arith.muli %arg1, %mul3A_10 : i32
    %add3A_12 = arith.constant 128 : i32
    %add3A_13 = arith.addi %mul3A_11, %add3A_12 : i32
    "tpu.region"() ({
      %run_scoped3A_95 = tpu.sem_alloc : memref<!tpu.dma_semaphore, #tpu.memory_space<semaphore_mem>>
      %dma_start3A_96 = arith.constant 0 : i32
      %dma_start3A_97 = tpu.memref_slice %arg11[%add3A_13, %dma_start3A_96] : memref<10240x64xf32, #tpu.memory_space<vmem_shared>> -> memref<128x64xf32, #tpu.memory_space<vmem_shared>>
      %dma_start3A_98 = arith.constant 0 : i32
      %dma_start3A_99 = tpu.memref_slice %arg11[%add3A_13, %dma_start3A_98] : memref<10240x64xf32, #tpu.memory_space<vmem_shared>> -> memref<128x64xf32, #tpu.memory_space<vmem_shared>>
      tpu.enqueue_dma source(%arg10 : memref<128x64xf32, #tpu.memory_space<vmem>>) target(%dma_start3A_99 : memref<128x64xf32, #tpu.memory_space<vmem_shared>>) target_semaphore(%run_scoped3A_95 : memref<!tpu.dma_semaphore, #tpu.memory_space<semaphore_mem>>)
      %dma_wait3A_100 = arith.constant 0 : i32
      %dma_wait3A_101 = tpu.memref_slice %arg11[%add3A_13, %dma_wait3A_100] : memref<10240x64xf32, #tpu.memory_space<vmem_shared>> -> memref<128x64xf32, #tpu.memory_space<vmem_shared>>
      %dma_wait3A_102 = arith.constant 0 : i32
      %dma_wait3A_103 = tpu.memref_slice %arg11[%add3A_13, %dma_wait3A_102] : memref<10240x64xf32, #tpu.memory_space<vmem_shared>> -> memref<128x64xf32, #tpu.memory_space<vmem_shared>>
      tpu.wait_dma2 semaphore(%run_scoped3A_95 : memref<!tpu.dma_semaphore, #tpu.memory_space<semaphore_mem>>) src(%arg10 : memref<128x64xf32, #tpu.memory_space<vmem>>) dst(%dma_wait3A_103 : memref<128x64xf32, #tpu.memory_space<vmem_shared>>)
      tpu.yield
    }) : () -> ()
    %mul3A_14 = arith.constant 640 : i32
    %mul3A_15 = arith.muli %arg1, %mul3A_14 : i32
    %add3A_16 = arith.constant 256 : i32
    %add3A_17 = arith.addi %mul3A_15, %add3A_16 : i32
    "tpu.region"() ({
      %run_scoped3A_95 = tpu.sem_alloc : memref<!tpu.dma_semaphore, #tpu.memory_space<semaphore_mem>>
      %dma_start3A_96 = arith.constant 0 : i32
      %dma_start3A_97 = tpu.memref_slice %arg11[%add3A_17, %dma_start3A_96] : memref<10240x64xf32, #tpu.memory_space<vmem_shared>> -> memref<128x64xf32, #tpu.memory_space<vmem_shared>>
      %dma_start3A_98 = arith.constant 0 : i32
      %dma_start3A_99 = tpu.memref_slice %arg11[%add3A_17, %dma_start3A_98] : memref<10240x64xf32, #tpu.memory_space<vmem_shared>> -> memref<128x64xf32, #tpu.memory_space<vmem_shared>>
      tpu.enqueue_dma source(%arg10 : memref<128x64xf32, #tpu.memory_space<vmem>>) target(%dma_start3A_99 : memref<128x64xf32, #tpu.memory_space<vmem_shared>>) target_semaphore(%run_scoped3A_95 : memref<!tpu.dma_semaphore, #tpu.memory_space<semaphore_mem>>)
      %dma_wait3A_100 = arith.constant 0 : i32
      %dma_wait3A_101 = tpu.memref_slice %arg11[%add3A_17, %dma_wait3A_100] : memref<10240x64xf32, #tpu.memory_space<vmem_shared>> -> memref<128x64xf32, #tpu.memory_space<vmem_shared>>
      %dma_wait3A_102 = arith.constant 0 : i32
      %dma_wait3A_103 = tpu.memref_slice %arg11[%add3A_17, %dma_wait3A_102] : memref<10240x64xf32, #tpu.memory_space<vmem_shared>> -> memref<128x64xf32, #tpu.memory_space<vmem_shared>>
      tpu.wait_dma2 semaphore(%run_scoped3A_95 : memref<!tpu.dma_semaphore, #tpu.memory_space<semaphore_mem>>) src(%arg10 : memref<128x64xf32, #tpu.memory_space<vmem>>) dst(%dma_wait3A_103 : memref<128x64xf32, #tpu.memory_space<vmem_shared>>)
      tpu.yield
    }) : () -> ()
    %mul3A_18 = arith.constant 640 : i32
    %mul3A_19 = arith.muli %arg1, %mul3A_18 : i32
    %add3A_20 = arith.constant 384 : i32
    %add3A_21 = arith.addi %mul3A_19, %add3A_20 : i32
    "tpu.region"() ({
      %run_scoped3A_95 = tpu.sem_alloc : memref<!tpu.dma_semaphore, #tpu.memory_space<semaphore_mem>>
      %dma_start3A_96 = arith.constant 0 : i32
      %dma_start3A_97 = tpu.memref_slice %arg11[%add3A_21, %dma_start3A_96] : memref<10240x64xf32, #tpu.memory_space<vmem_shared>> -> memref<128x64xf32, #tpu.memory_space<vmem_shared>>
      %dma_start3A_98 = arith.constant 0 : i32
      %dma_start3A_99 = tpu.memref_slice %arg11[%add3A_21, %dma_start3A_98] : memref<10240x64xf32, #tpu.memory_space<vmem_shared>> -> memref<128x64xf32, #tpu.memory_space<vmem_shared>>
      tpu.enqueue_dma source(%arg10 : memref<128x64xf32, #tpu.memory_space<vmem>>) target(%dma_start3A_99 : memref<128x64xf32, #tpu.memory_space<vmem_shared>>) target_semaphore(%run_scoped3A_95 : memref<!tpu.dma_semaphore, #tpu.memory_space<semaphore_mem>>)
      %dma_wait3A_100 = arith.constant 0 : i32
      %dma_wait3A_101 = tpu.memref_slice %arg11[%add3A_21, %dma_wait3A_100] : memref<10240x64xf32, #tpu.memory_space<vmem_shared>> -> memref<128x64xf32, #tpu.memory_space<vmem_shared>>
      %dma_wait3A_102 = arith.constant 0 : i32
      %dma_wait3A_103 = tpu.memref_slice %arg11[%add3A_21, %dma_wait3A_102] : memref<10240x64xf32, #tpu.memory_space<vmem_shared>> -> memref<128x64xf32, #tpu.memory_space<vmem_shared>>
      tpu.wait_dma2 semaphore(%run_scoped3A_95 : memref<!tpu.dma_semaphore, #tpu.memory_space<semaphore_mem>>) src(%arg10 : memref<128x64xf32, #tpu.memory_space<vmem>>) dst(%dma_wait3A_103 : memref<128x64xf32, #tpu.memory_space<vmem_shared>>)
      tpu.yield
    }) : () -> ()
    %mul3A_22 = arith.constant 640 : i32
    %mul3A_23 = arith.muli %arg1, %mul3A_22 : i32
    %add3A_24 = arith.constant 512 : i32
    %add3A_25 = arith.addi %mul3A_23, %add3A_24 : i32
    "tpu.region"() ({
      %run_scoped3A_95 = tpu.sem_alloc : memref<!tpu.dma_semaphore, #tpu.memory_space<semaphore_mem>>
      %dma_start3A_96 = arith.constant 0 : i32
      %dma_start3A_97 = tpu.memref_slice %arg11[%add3A_25, %dma_start3A_96] : memref<10240x64xf32, #tpu.memory_space<vmem_shared>> -> memref<128x64xf32, #tpu.memory_space<vmem_shared>>
      %dma_start3A_98 = arith.constant 0 : i32
      %dma_start3A_99 = tpu.memref_slice %arg11[%add3A_25, %dma_start3A_98] : memref<10240x64xf32, #tpu.memory_space<vmem_shared>> -> memref<128x64xf32, #tpu.memory_space<vmem_shared>>
      tpu.enqueue_dma source(%arg10 : memref<128x64xf32, #tpu.memory_space<vmem>>) target(%dma_start3A_99 : memref<128x64xf32, #tpu.memory_space<vmem_shared>>) target_semaphore(%run_scoped3A_95 : memref<!tpu.dma_semaphore, #tpu.memory_space<semaphore_mem>>)
      %dma_wait3A_100 = arith.constant 0 : i32
      %dma_wait3A_101 = tpu.memref_slice %arg11[%add3A_25, %dma_wait3A_100] : memref<10240x64xf32, #tpu.memory_space<vmem_shared>> -> memref<128x64xf32, #tpu.memory_space<vmem_shared>>
      %dma_wait3A_102 = arith.constant 0 : i32
      %dma_wait3A_103 = tpu.memref_slice %arg11[%add3A_25, %dma_wait3A_102] : memref<10240x64xf32, #tpu.memory_space<vmem_shared>> -> memref<128x64xf32, #tpu.memory_space<vmem_shared>>
      tpu.wait_dma2 semaphore(%run_scoped3A_95 : memref<!tpu.dma_semaphore, #tpu.memory_space<semaphore_mem>>) src(%arg10 : memref<128x64xf32, #tpu.memory_space<vmem>>) dst(%dma_wait3A_103 : memref<128x64xf32, #tpu.memory_space<vmem_shared>>)
      tpu.yield
    }) : () -> ()
    %mul3A_26 = arith.constant 160 : i32
    %mul3A_27 = arith.muli %arg1, %mul3A_26 : i32
    %run_scoped3A = arith.constant 0 : i32
    "tpu.region"() ({
      %run_scoped3A_95 = tpu.sem_alloc : memref<!tpu.dma_semaphore, #tpu.memory_space<semaphore_mem>>
      %dma_start3A_96 = arith.constant 0 : i32
      %dma_start3A_97 = arith.constant 0 : i32
      %dma_start3A_98 = tpu.memref_slice %arg2[%run_scoped3A, %arg0, %mul3A_27, %dma_start3A_96, %dma_start3A_97] : memref<1x2x2560x1x128xi32, #tpu.memory_space<hbm>> -> memref<1x1x160x1x128xi32, #tpu.memory_space<hbm>>
      %dma_start3A_99 = tpu.memref_squeeze %dma_start3A_98 : memref<1x1x160x1x128xi32, #tpu.memory_space<hbm>> -> memref<160x1x128xi32, #tpu.memory_space<hbm>>
      %dma_start3A_100 = arith.constant 0 : i32
      %dma_start3A_101 = arith.constant 0 : i32
      %dma_start3A_102 = tpu.memref_slice %arg2[%run_scoped3A, %arg0, %mul3A_27, %dma_start3A_100, %dma_start3A_101] : memref<1x2x2560x1x128xi32, #tpu.memory_space<hbm>> -> memref<1x1x160x1x128xi32, #tpu.memory_space<hbm>>
      %dma_start3A_103 = tpu.memref_squeeze %dma_start3A_102 : memref<1x1x160x1x128xi32, #tpu.memory_space<hbm>> -> memref<160x1x128xi32, #tpu.memory_space<hbm>>
      tpu.enqueue_dma source(%dma_start3A_103 : memref<160x1x128xi32, #tpu.memory_space<hbm>>) target(%arg6 : memref<160x1x128xi32, #tpu.memory_space<vmem>>) target_semaphore(%run_scoped3A_95 : memref<!tpu.dma_semaphore, #tpu.memory_space<semaphore_mem>>)
      %dma_wait3A_104 = arith.constant 0 : i32
      %dma_wait3A_105 = arith.constant 0 : i32
      %dma_wait3A_106 = tpu.memref_slice %arg2[%run_scoped3A, %arg0, %mul3A_27, %dma_wait3A_104, %dma_wait3A_105] : memref<1x2x2560x1x128xi32, #tpu.memory_space<hbm>> -> memref<1x1x160x1x128xi32, #tpu.memory_space<hbm>>
      %dma_wait3A_107 = tpu.memref_squeeze %dma_wait3A_106 : memref<1x1x160x1x128xi32, #tpu.memory_space<hbm>> -> memref<160x1x128xi32, #tpu.memory_space<hbm>>
      %dma_wait3A_108 = arith.constant 0 : i32
      %dma_wait3A_109 = arith.constant 0 : i32
      %dma_wait3A_110 = tpu.memref_slice %arg2[%run_scoped3A, %arg0, %mul3A_27, %dma_wait3A_108, %dma_wait3A_109] : memref<1x2x2560x1x128xi32, #tpu.memory_space<hbm>> -> memref<1x1x160x1x128xi32, #tpu.memory_space<hbm>>
      %dma_wait3A_111 = tpu.memref_squeeze %dma_wait3A_110 : memref<1x1x160x1x128xi32, #tpu.memory_space<hbm>> -> memref<160x1x128xi32, #tpu.memory_space<hbm>>
      tpu.wait_dma2 semaphore(%run_scoped3A_95 : memref<!tpu.dma_semaphore, #tpu.memory_space<semaphore_mem>>) src(%dma_wait3A_111 : memref<160x1x128xi32, #tpu.memory_space<hbm>>) dst(%arg6 : memref<160x1x128xi32, #tpu.memory_space<vmem>>)
      tpu.yield
    }) : () -> ()
    %barrier3A = arith.constant 0 : index
    tpu.barrier barrier_id(%barrier3A)
    %dma_start3A = arith.constant 0 : i32
    %dma_start3A_28 = arith.constant 0 : i32
    %dma_start3A_29 = arith.constant 0 : i32
    %dma_start3A_30 = tpu.memref_slice %arg6[%dma_start3A, %dma_start3A_28, %dma_start3A_29] : memref<160x1x128xi32, #tpu.memory_space<vmem>> -> memref<1x1x128xi32, #tpu.memory_space<vmem>>
    %dma_start3A_31 = tpu.memref_squeeze %dma_start3A_30 : memref<1x1x128xi32, #tpu.memory_space<vmem>> -> memref<128xi32, #tpu.memory_space<vmem>>
    %dma_start3A_32 = arith.constant 0 : i32
    %dma_start3A_33 = arith.constant 0 : i32
    %dma_start3A_34 = tpu.memref_slice %arg4[%dma_start3A_32, %dma_start3A_33] : memref<20480x64xf32, #tpu.memory_space<hbm>> -> memref<20480x64xf32, #tpu.memory_space<hbm>>
    tpu.enqueue_indirect_dma source(%dma_start3A_34 : memref<20480x64xf32, #tpu.memory_space<hbm>>) target(%arg8 : memref<128x64xf32, #tpu.memory_space<vmem>>) offsets(%dma_start3A_31 : memref<128xi32, #tpu.memory_space<vmem>>) semaphore(%arg12 : memref<!tpu.dma_semaphore, #tpu.memory_space<semaphore_mem>>)
    %dma_start3A_35 = arith.constant 1 : i32
    %dma_start3A_36 = arith.constant 0 : i32
    %dma_start3A_37 = arith.constant 0 : i32
    %dma_start3A_38 = tpu.memref_slice %arg6[%dma_start3A_35, %dma_start3A_36, %dma_start3A_37] : memref<160x1x128xi32, #tpu.memory_space<vmem>> -> memref<1x1x128xi32, #tpu.memory_space<vmem>>
    %dma_start3A_39 = tpu.memref_squeeze %dma_start3A_38 : memref<1x1x128xi32, #tpu.memory_space<vmem>> -> memref<128xi32, #tpu.memory_space<vmem>>
    %dma_start3A_40 = arith.constant 0 : i32
    %dma_start3A_41 = arith.constant 0 : i32
    %dma_start3A_42 = tpu.memref_slice %arg4[%dma_start3A_40, %dma_start3A_41] : memref<20480x64xf32, #tpu.memory_space<hbm>> -> memref<20480x64xf32, #tpu.memory_space<hbm>>
    tpu.enqueue_indirect_dma source(%dma_start3A_42 : memref<20480x64xf32, #tpu.memory_space<hbm>>) target(%arg9 : memref<128x64xf32, #tpu.memory_space<vmem>>) offsets(%dma_start3A_39 : memref<128xi32, #tpu.memory_space<vmem>>) semaphore(%arg13 : memref<!tpu.dma_semaphore, #tpu.memory_space<semaphore_mem>>)
    %scan3A_43 = arith.constant 0 : i32
    %scan3A_44 = arith.constant 0 : i32
    %scan3A_45 = arith.constant 79 : i32
    %scan3A_46 = arith.addi %scan3A_44, %scan3A_45 : i32
    %scan3A_47 = arith.constant 1 : i32
    %scan3A_48 = scf.for %scan3A_95 = %scan3A_44 to %scan3A_46 step %scan3A_47 iter_args(%scan3A_96 = %scan3A_43) -> (i32)  : i32 {
      %mul3A_97 = arith.constant 2 : i32
      %mul3A_98 = arith.muli %mul3A_97, %scan3A_95 : i32
      %dma_wait3A_99 = arith.constant 0 : i32
      %dma_wait3A_100 = arith.constant 0 : i32
      %dma_wait3A_101 = tpu.memref_slice %arg4[%dma_wait3A_99, %dma_wait3A_100] : memref<20480x64xf32, #tpu.memory_space<hbm>> -> memref<128x64xf32, #tpu.memory_space<hbm>>
      %dma_wait3A_102 = arith.constant 0 : i32
      %dma_wait3A_103 = arith.constant 0 : i32
      %dma_wait3A_104 = tpu.memref_slice %arg4[%dma_wait3A_102, %dma_wait3A_103] : memref<20480x64xf32, #tpu.memory_space<hbm>> -> memref<128x64xf32, #tpu.memory_space<hbm>>
      tpu.wait_dma2 semaphore(%arg12 : memref<!tpu.dma_semaphore, #tpu.memory_space<semaphore_mem>>) src(%dma_wait3A_104 : memref<128x64xf32, #tpu.memory_space<hbm>>) dst(%arg8 : memref<128x64xf32, #tpu.memory_space<vmem>>)
      %add3A_105 = arith.constant 0 : i32
      %add3A_106 = arith.addi %mul3A_98, %add3A_105 : i32
      %dma_start3A_107 = arith.constant 0 : i32
      %dma_start3A_108 = arith.constant 0 : i32
      %dma_start3A_109 = tpu.memref_slice %arg7[%add3A_106, %dma_start3A_107, %dma_start3A_108] : memref<160x1x128xi32, #tpu.memory_space<vmem>> -> memref<1x1x128xi32, #tpu.memory_space<vmem>>
      %dma_start3A_110 = tpu.memref_squeeze %dma_start3A_109 : memref<1x1x128xi32, #tpu.memory_space<vmem>> -> memref<128xi32, #tpu.memory_space<vmem>>
      %dma_start3A_111 = arith.constant 0 : i32
      %dma_start3A_112 = arith.constant 0 : i32
      %dma_start3A_113 = tpu.memref_slice %arg11[%dma_start3A_111, %dma_start3A_112] : memref<10240x64xf32, #tpu.memory_space<vmem_shared>> -> memref<10240x64xf32, #tpu.memory_space<vmem_shared>>
      tpu.enqueue_indirect_dma source(%arg8 : memref<128x64xf32, #tpu.memory_space<vmem>>) target(%dma_start3A_113 : memref<10240x64xf32, #tpu.memory_space<vmem_shared>>) offsets(%dma_start3A_110 : memref<128xi32, #tpu.memory_space<vmem>>) semaphore(%arg14 : memref<!tpu.dma_semaphore, #tpu.memory_space<semaphore_mem>>) {add = true}
      %dma_wait3A_114 = arith.constant 0 : i32
      %dma_wait3A_115 = arith.constant 0 : i32
      %dma_wait3A_116 = tpu.memref_slice %arg4[%dma_wait3A_114, %dma_wait3A_115] : memref<20480x64xf32, #tpu.memory_space<hbm>> -> memref<128x64xf32, #tpu.memory_space<hbm>>
      %dma_wait3A_117 = arith.constant 0 : i32
      %dma_wait3A_118 = arith.constant 0 : i32
      %dma_wait3A_119 = tpu.memref_slice %arg4[%dma_wait3A_117, %dma_wait3A_118] : memref<20480x64xf32, #tpu.memory_space<hbm>> -> memref<128x64xf32, #tpu.memory_space<hbm>>
      tpu.wait_dma2 semaphore(%arg13 : memref<!tpu.dma_semaphore, #tpu.memory_space<semaphore_mem>>) src(%dma_wait3A_119 : memref<128x64xf32, #tpu.memory_space<hbm>>) dst(%arg9 : memref<128x64xf32, #tpu.memory_space<vmem>>)
      %add3A_120 = arith.constant 1 : i32
      %add3A_121 = arith.addi %mul3A_98, %add3A_120 : i32
      %dma_start3A_122 = arith.constant 0 : i32
      %dma_start3A_123 = arith.constant 0 : i32
      %dma_start3A_124 = tpu.memref_slice %arg7[%add3A_121, %dma_start3A_122, %dma_start3A_123] : memref<160x1x128xi32, #tpu.memory_space<vmem>> -> memref<1x1x128xi32, #tpu.memory_space<vmem>>
      %dma_start3A_125 = tpu.memref_squeeze %dma_start3A_124 : memref<1x1x128xi32, #tpu.memory_space<vmem>> -> memref<128xi32, #tpu.memory_space<vmem>>
      %dma_start3A_126 = arith.constant 0 : i32
      %dma_start3A_127 = arith.constant 0 : i32
      %dma_start3A_128 = tpu.memref_slice %arg11[%dma_start3A_126, %dma_start3A_127] : memref<10240x64xf32, #tpu.memory_space<vmem_shared>> -> memref<10240x64xf32, #tpu.memory_space<vmem_shared>>
      tpu.enqueue_indirect_dma source(%arg9 : memref<128x64xf32, #tpu.memory_space<vmem>>) target(%dma_start3A_128 : memref<10240x64xf32, #tpu.memory_space<vmem_shared>>) offsets(%dma_start3A_125 : memref<128xi32, #tpu.memory_space<vmem>>) semaphore(%arg15 : memref<!tpu.dma_semaphore, #tpu.memory_space<semaphore_mem>>) {add = true}
      %dma_wait3A_129 = arith.constant 0 : i32
      %dma_wait3A_130 = arith.constant 0 : i32
      %dma_wait3A_131 = tpu.memref_slice %arg4[%dma_wait3A_129, %dma_wait3A_130] : memref<20480x64xf32, #tpu.memory_space<hbm>> -> memref<128x64xf32, #tpu.memory_space<hbm>>
      %dma_wait3A_132 = arith.constant 0 : i32
      %dma_wait3A_133 = arith.constant 0 : i32
      %dma_wait3A_134 = tpu.memref_slice %arg4[%dma_wait3A_132, %dma_wait3A_133] : memref<20480x64xf32, #tpu.memory_space<hbm>> -> memref<128x64xf32, #tpu.memory_space<hbm>>
      tpu.wait_dma2 semaphore(%arg14 : memref<!tpu.dma_semaphore, #tpu.memory_space<semaphore_mem>>) src(%dma_wait3A_134 : memref<128x64xf32, #tpu.memory_space<hbm>>) dst(%arg8 : memref<128x64xf32, #tpu.memory_space<vmem>>)
      %add3A_135 = arith.constant 2 : i32
      %add3A_136 = arith.addi %mul3A_98, %add3A_135 : i32
      %add3A_137 = arith.constant 0 : i32
      %add3A_138 = arith.addi %add3A_136, %add3A_137 : i32
      %dma_start3A_139 = arith.constant 0 : i32
      %dma_start3A_140 = arith.constant 0 : i32
      %dma_start3A_141 = tpu.memref_slice %arg6[%add3A_138, %dma_start3A_139, %dma_start3A_140] : memref<160x1x128xi32, #tpu.memory_space<vmem>> -> memref<1x1x128xi32, #tpu.memory_space<vmem>>
      %dma_start3A_142 = tpu.memref_squeeze %dma_start3A_141 : memref<1x1x128xi32, #tpu.memory_space<vmem>> -> memref<128xi32, #tpu.memory_space<vmem>>
      %dma_start3A_143 = arith.constant 0 : i32
      %dma_start3A_144 = arith.constant 0 : i32
      %dma_start3A_145 = tpu.memref_slice %arg4[%dma_start3A_143, %dma_start3A_144] : memref<20480x64xf32, #tpu.memory_space<hbm>> -> memref<20480x64xf32, #tpu.memory_space<hbm>>
      tpu.enqueue_indirect_dma source(%dma_start3A_145 : memref<20480x64xf32, #tpu.memory_space<hbm>>) target(%arg8 : memref<128x64xf32, #tpu.memory_space<vmem>>) offsets(%dma_start3A_142 : memref<128xi32, #tpu.memory_space<vmem>>) semaphore(%arg12 : memref<!tpu.dma_semaphore, #tpu.memory_space<semaphore_mem>>)
      %dma_wait3A_146 = arith.constant 0 : i32
      %dma_wait3A_147 = arith.constant 0 : i32
      %dma_wait3A_148 = tpu.memref_slice %arg4[%dma_wait3A_146, %dma_wait3A_147] : memref<20480x64xf32, #tpu.memory_space<hbm>> -> memref<128x64xf32, #tpu.memory_space<hbm>>
      %dma_wait3A_149 = arith.constant 0 : i32
      %dma_wait3A_150 = arith.constant 0 : i32
      %dma_wait3A_151 = tpu.memref_slice %arg4[%dma_wait3A_149, %dma_wait3A_150] : memref<20480x64xf32, #tpu.memory_space<hbm>> -> memref<128x64xf32, #tpu.memory_space<hbm>>
      tpu.wait_dma2 semaphore(%arg15 : memref<!tpu.dma_semaphore, #tpu.memory_space<semaphore_mem>>) src(%dma_wait3A_151 : memref<128x64xf32, #tpu.memory_space<hbm>>) dst(%arg9 : memref<128x64xf32, #tpu.memory_space<vmem>>)
      %add3A_152 = arith.constant 2 : i32
      %add3A_153 = arith.addi %mul3A_98, %add3A_152 : i32
      %add3A_154 = arith.constant 1 : i32
      %add3A_155 = arith.addi %add3A_153, %add3A_154 : i32
      %dma_start3A_156 = arith.constant 0 : i32
      %dma_start3A_157 = arith.constant 0 : i32
      %dma_start3A_158 = tpu.memref_slice %arg6[%add3A_155, %dma_start3A_156, %dma_start3A_157] : memref<160x1x128xi32, #tpu.memory_space<vmem>> -> memref<1x1x128xi32, #tpu.memory_space<vmem>>
      %dma_start3A_159 = tpu.memref_squeeze %dma_start3A_158 : memref<1x1x128xi32, #tpu.memory_space<vmem>> -> memref<128xi32, #tpu.memory_space<vmem>>
      %dma_start3A_160 = arith.constant 0 : i32
      %dma_start3A_161 = arith.constant 0 : i32
      %dma_start3A_162 = tpu.memref_slice %arg4[%dma_start3A_160, %dma_start3A_161] : memref<20480x64xf32, #tpu.memory_space<hbm>> -> memref<20480x64xf32, #tpu.memory_space<hbm>>
      tpu.enqueue_indirect_dma source(%dma_start3A_162 : memref<20480x64xf32, #tpu.memory_space<hbm>>) target(%arg9 : memref<128x64xf32, #tpu.memory_space<vmem>>) offsets(%dma_start3A_159 : memref<128xi32, #tpu.memory_space<vmem>>) semaphore(%arg13 : memref<!tpu.dma_semaphore, #tpu.memory_space<semaphore_mem>>)
      %scan3A_163 = arith.constant 0 : i32
      scf.yield %scan3A_163 : i32
    }
    %scan3A_49 = arith.constant 79 : i32
    %dma_wait3A = arith.constant 0 : i32
    %dma_wait3A_50 = arith.constant 0 : i32
    %dma_wait3A_51 = tpu.memref_slice %arg4[%dma_wait3A, %dma_wait3A_50] : memref<20480x64xf32, #tpu.memory_space<hbm>> -> memref<128x64xf32, #tpu.memory_space<hbm>>
    %dma_wait3A_52 = arith.constant 0 : i32
    %dma_wait3A_53 = arith.constant 0 : i32
    %dma_wait3A_54 = tpu.memref_slice %arg4[%dma_wait3A_52, %dma_wait3A_53] : memref<20480x64xf32, #tpu.memory_space<hbm>> -> memref<128x64xf32, #tpu.memory_space<hbm>>
    tpu.wait_dma2 semaphore(%arg12 : memref<!tpu.dma_semaphore, #tpu.memory_space<semaphore_mem>>) src(%dma_wait3A_54 : memref<128x64xf32, #tpu.memory_space<hbm>>) dst(%arg8 : memref<128x64xf32, #tpu.memory_space<vmem>>)
    %dma_start3A_55 = arith.constant 158 : i32
    %dma_start3A_56 = arith.constant 0 : i32
    %dma_start3A_57 = arith.constant 0 : i32
    %dma_start3A_58 = tpu.memref_slice %arg7[%dma_start3A_55, %dma_start3A_56, %dma_start3A_57] : memref<160x1x128xi32, #tpu.memory_space<vmem>> -> memref<1x1x128xi32, #tpu.memory_space<vmem>>
    %dma_start3A_59 = tpu.memref_squeeze %dma_start3A_58 : memref<1x1x128xi32, #tpu.memory_space<vmem>> -> memref<128xi32, #tpu.memory_space<vmem>>
    %dma_start3A_60 = arith.constant 0 : i32
    %dma_start3A_61 = arith.constant 0 : i32
    %dma_start3A_62 = tpu.memref_slice %arg11[%dma_start3A_60, %dma_start3A_61] : memref<10240x64xf32, #tpu.memory_space<vmem_shared>> -> memref<10240x64xf32, #tpu.memory_space<vmem_shared>>
    tpu.enqueue_indirect_dma source(%arg8 : memref<128x64xf32, #tpu.memory_space<vmem>>) target(%dma_start3A_62 : memref<10240x64xf32, #tpu.memory_space<vmem_shared>>) offsets(%dma_start3A_59 : memref<128xi32, #tpu.memory_space<vmem>>) semaphore(%arg14 : memref<!tpu.dma_semaphore, #tpu.memory_space<semaphore_mem>>) {add = true}
    %dma_wait3A_63 = arith.constant 0 : i32
    %dma_wait3A_64 = arith.constant 0 : i32
    %dma_wait3A_65 = tpu.memref_slice %arg4[%dma_wait3A_63, %dma_wait3A_64] : memref<20480x64xf32, #tpu.memory_space<hbm>> -> memref<128x64xf32, #tpu.memory_space<hbm>>
    %dma_wait3A_66 = arith.constant 0 : i32
    %dma_wait3A_67 = arith.constant 0 : i32
    %dma_wait3A_68 = tpu.memref_slice %arg4[%dma_wait3A_66, %dma_wait3A_67] : memref<20480x64xf32, #tpu.memory_space<hbm>> -> memref<128x64xf32, #tpu.memory_space<hbm>>
    tpu.wait_dma2 semaphore(%arg13 : memref<!tpu.dma_semaphore, #tpu.memory_space<semaphore_mem>>) src(%dma_wait3A_68 : memref<128x64xf32, #tpu.memory_space<hbm>>) dst(%arg9 : memref<128x64xf32, #tpu.memory_space<vmem>>)
    %dma_start3A_69 = arith.constant 159 : i32
    %dma_start3A_70 = arith.constant 0 : i32
    %dma_start3A_71 = arith.constant 0 : i32
    %dma_start3A_72 = tpu.memref_slice %arg7[%dma_start3A_69, %dma_start3A_70, %dma_start3A_71] : memref<160x1x128xi32, #tpu.memory_space<vmem>> -> memref<1x1x128xi32, #tpu.memory_space<vmem>>
    %dma_start3A_73 = tpu.memref_squeeze %dma_start3A_72 : memref<1x1x128xi32, #tpu.memory_space<vmem>> -> memref<128xi32, #tpu.memory_space<vmem>>
    %dma_start3A_74 = arith.constant 0 : i32
    %dma_start3A_75 = arith.constant 0 : i32
    %dma_start3A_76 = tpu.memref_slice %arg11[%dma_start3A_74, %dma_start3A_75] : memref<10240x64xf32, #tpu.memory_space<vmem_shared>> -> memref<10240x64xf32, #tpu.memory_space<vmem_shared>>
    tpu.enqueue_indirect_dma source(%arg9 : memref<128x64xf32, #tpu.memory_space<vmem>>) target(%dma_start3A_76 : memref<10240x64xf32, #tpu.memory_space<vmem_shared>>) offsets(%dma_start3A_73 : memref<128xi32, #tpu.memory_space<vmem>>) semaphore(%arg15 : memref<!tpu.dma_semaphore, #tpu.memory_space<semaphore_mem>>) {add = true}
    %dma_wait3A_77 = arith.constant 0 : i32
    %dma_wait3A_78 = arith.constant 0 : i32
    %dma_wait3A_79 = tpu.memref_slice %arg4[%dma_wait3A_77, %dma_wait3A_78] : memref<20480x64xf32, #tpu.memory_space<hbm>> -> memref<128x64xf32, #tpu.memory_space<hbm>>
    %dma_wait3A_80 = arith.constant 0 : i32
    %dma_wait3A_81 = arith.constant 0 : i32
    %dma_wait3A_82 = tpu.memref_slice %arg4[%dma_wait3A_80, %dma_wait3A_81] : memref<20480x64xf32, #tpu.memory_space<hbm>> -> memref<128x64xf32, #tpu.memory_space<hbm>>
    tpu.wait_dma2 semaphore(%arg14 : memref<!tpu.dma_semaphore, #tpu.memory_space<semaphore_mem>>) src(%dma_wait3A_82 : memref<128x64xf32, #tpu.memory_space<hbm>>) dst(%arg8 : memref<128x64xf32, #tpu.memory_space<vmem>>)
    %dma_wait3A_83 = arith.constant 0 : i32
    %dma_wait3A_84 = arith.constant 0 : i32
    %dma_wait3A_85 = tpu.memref_slice %arg4[%dma_wait3A_83, %dma_wait3A_84] : memref<20480x64xf32, #tpu.memory_space<hbm>> -> memref<128x64xf32, #tpu.memory_space<hbm>>
    %dma_wait3A_86 = arith.constant 0 : i32
    %dma_wait3A_87 = arith.constant 0 : i32
    %dma_wait3A_88 = tpu.memref_slice %arg4[%dma_wait3A_86, %dma_wait3A_87] : memref<20480x64xf32, #tpu.memory_space<hbm>> -> memref<128x64xf32, #tpu.memory_space<hbm>>
    tpu.wait_dma2 semaphore(%arg15 : memref<!tpu.dma_semaphore, #tpu.memory_space<semaphore_mem>>) src(%dma_wait3A_88 : memref<128x64xf32, #tpu.memory_space<hbm>>) dst(%arg9 : memref<128x64xf32, #tpu.memory_space<vmem>>)
    %barrier3A_89 = arith.constant 0 : index
    tpu.barrier barrier_id(%barrier3A_89)
    %mul3A_90 = arith.constant 640 : i32
    %mul3A_91 = arith.muli %arg1, %mul3A_90 : i32
    %mul3A_92 = arith.constant 640 : i32
    %mul3A_93 = arith.muli %arg1, %mul3A_92 : i32
    %run_scoped3A_94 = arith.constant 0 : i32
    "tpu.region"() ({
      %run_scoped3A_95 = tpu.sem_alloc : memref<!tpu.dma_semaphore, #tpu.memory_space<semaphore_mem>>
      %dma_start3A_96 = arith.constant 0 : i32
      %dma_start3A_97 = tpu.memref_slice %arg5[%run_scoped3A_94, %arg0, %mul3A_93, %dma_start3A_96] : memref<1x2x10240x64xf32, #tpu.memory_space<hbm>> -> memref<1x1x640x64xf32, #tpu.memory_space<hbm>>
      %dma_start3A_98 = tpu.memref_squeeze %dma_start3A_97 : memref<1x1x640x64xf32, #tpu.memory_space<hbm>> -> memref<640x64xf32, #tpu.memory_space<hbm>>
      %dma_start3A_99 = arith.constant 0 : i32
      %dma_start3A_100 = tpu.memref_slice %arg11[%mul3A_91, %dma_start3A_99] : memref<10240x64xf32, #tpu.memory_space<vmem_shared>> -> memref<640x64xf32, #tpu.memory_space<vmem_shared>>
      tpu.enqueue_dma source(%dma_start3A_100 : memref<640x64xf32, #tpu.memory_space<vmem_shared>>) target(%dma_start3A_98 : memref<640x64xf32, #tpu.memory_space<hbm>>) target_semaphore(%run_scoped3A_95 : memref<!tpu.dma_semaphore, #tpu.memory_space<semaphore_mem>>)
      %dma_wait3A_101 = arith.constant 0 : i32
      %dma_wait3A_102 = tpu.memref_slice %arg5[%run_scoped3A_94, %arg0, %mul3A_93, %dma_wait3A_101] : memref<1x2x10240x64xf32, #tpu.memory_space<hbm>> -> memref<1x1x640x64xf32, #tpu.memory_space<hbm>>
      %dma_wait3A_103 = tpu.memref_squeeze %dma_wait3A_102 : memref<1x1x640x64xf32, #tpu.memory_space<hbm>> -> memref<640x64xf32, #tpu.memory_space<hbm>>
      %dma_wait3A_104 = arith.constant 0 : i32
      %dma_wait3A_105 = tpu.memref_slice %arg11[%mul3A_91, %dma_wait3A_104] : memref<10240x64xf32, #tpu.memory_space<vmem_shared>> -> memref<640x64xf32, #tpu.memory_space<vmem_shared>>
      tpu.wait_dma2 semaphore(%run_scoped3A_95 : memref<!tpu.dma_semaphore, #tpu.memory_space<semaphore_mem>>) src(%dma_wait3A_105 : memref<640x64xf32, #tpu.memory_space<vmem_shared>>) dst(%dma_wait3A_103 : memref<640x64xf32, #tpu.memory_space<hbm>>)
      tpu.yield
    }) : () -> ()
    return
  }
}

module attributes {stable_mosaic.version = 14 : i64} {
  func.func @_tc_matmul(%arg0: memref<10240x128xf32, #tpu.memory_space<vmem>>, %arg1: memref<128x128xf32, #tpu.memory_space<vmem>>, %arg2: memref<10240x128xf32, #tpu.memory_space<vmem>>) attributes {dimension_semantics = [], scalar_prefetch = 0 : i64, scratch_operands = 0 : i64, tpu.core_type = #tpu.core_type<tc>} {
    %get3A = arith.constant 0 : index
    %get3A_0 = arith.constant 0 : index
    %get3A_1 = vector.load %arg0[%get3A, %get3A_0] : memref<10240x128xf32, #tpu.memory_space<vmem>>, vector<10240x128xf32>
    %get3A_2 = arith.constant 0 : index
    %get3A_3 = arith.constant 0 : index
    %get3A_4 = vector.load %arg1[%get3A_2, %get3A_3] : memref<128x128xf32, #tpu.memory_space<vmem>>, vector<128x128xf32>
    %dot_general3A = arith.constant dense<0.000000e+00> : vector<10240x128xf32>
    %dot_general3A_5 = tpu.matmul %get3A_1, %get3A_4, %dot_general3A {dimension_numbers = #tpu.dot_dimension_numbers<[1], [0], [0], [1], [0, 0, 1, 1], [], []>, transpose_lhs_hint = false} : vector<10240x128xf32>, vector<128x128xf32>, vector<10240x128xf32> -> vector<10240x128xf32>
    %swap3A = arith.constant 0 : index
    %swap3A_6 = arith.constant 0 : index
    %swap3A_7 = vector.load %arg2[%swap3A, %swap3A_6] : memref<10240x128xf32, #tpu.memory_space<vmem>>, vector<10240x128xf32>
    tpu.vector_store %arg2[%swap3A, %swap3A_6], %dot_general3A_5 {strides = array<i32>} : memref<10240x128xf32, #tpu.memory_space<vmem>>, vector<10240x128xf32>,
    return
  }
}

module attributes {stable_mosaic.version = 14 : i64} {
  func.func @tc_scale(%arg0: memref<10240x128xf32, #tpu.memory_space<vmem>>, %arg1: memref<2x10240x16xf32, #tpu.memory_space<vmem>>, %arg2: memref<20480x64xf32, #tpu.memory_space<vmem>>, %arg3: memref<10240x1xf32, #tpu.memory_space<vmem>>) attributes {dimension_semantics = [], scalar_prefetch = 0 : i64, scratch_operands = 0 : i64, tpu.core_type = #tpu.core_type<tc>} {
    %get3A = arith.constant 0 : index
    %get3A_0 = arith.constant 0 : index
    %get3A_1 = arith.constant 0 : index
    %get3A_2 = vector.load %arg1[%get3A, %get3A_0, %get3A_1] : memref<2x10240x16xf32, #tpu.memory_space<vmem>>, vector<1x10240x16xf32>
    %get3A_3 = vector.shape_cast %get3A_2 : vector<1x10240x16xf32> to vector<10240x16xf32>
    %get3A_4 = arith.constant 1 : index
    %get3A_5 = arith.constant 0 : index
    %get3A_6 = arith.constant 0 : index
    %get3A_7 = vector.load %arg1[%get3A_4, %get3A_5, %get3A_6] : memref<2x10240x16xf32, #tpu.memory_space<vmem>>, vector<1x10240x16xf32>
    %get3A_8 = vector.shape_cast %get3A_7 : vector<1x10240x16xf32> to vector<10240x16xf32>
    %add3A = arith.addf %get3A_3, %get3A_8 : vector<10240x16xf32>
    %reduce_sum3A = arith.constant dense<0.000000e+00> : vector<10240xf32>
    %reduce_sum3A_9 = vector.multi_reduction <add>, %add3A, %reduce_sum3A [1] : vector<10240x16xf32> to vector<10240xf32>
    %broadcast_in_dim3A = vector.shape_cast %reduce_sum3A_9 : vector<10240xf32> to vector<10240x1xf32>
    %add3A_10 = arith.constant 1.000000e+00 : f32
    %add3A_11 = vector.broadcast %add3A_10 : f32 to vector<10240x1xf32>
    %add3A_12 = arith.addf %add3A_11, %broadcast_in_dim3A : vector<10240x1xf32>
    %rsqrt3A = math.rsqrt %add3A_12 : vector<10240x1xf32>
    %get3A_13 = arith.constant 0 : index
    %get3A_14 = arith.constant 0 : index
    %get3A_15 = vector.load %arg0[%get3A_13, %get3A_14] : memref<10240x128xf32, #tpu.memory_space<vmem>>, vector<10240x128xf32>
    %mul3A = vector.broadcast %rsqrt3A : vector<10240x1xf32> to vector<10240x128xf32>
    %mul3A_16 = arith.mulf %get3A_15, %mul3A : vector<10240x128xf32>
    %slice3A = vector.extract_strided_slice %mul3A_16 {offsets = [0, 0], sizes = [10240, 64], strides = [1, 1]} : vector<10240x128xf32> to vector<10240x64xf32>
    %swap3A = arith.constant 0 : index
    %swap3A_17 = arith.constant 0 : index
    %swap3A_18 = vector.load %arg2[%swap3A, %swap3A_17] : memref<20480x64xf32, #tpu.memory_space<vmem>>, vector<10240x64xf32>
    tpu.vector_store %arg2[%swap3A, %swap3A_17], %slice3A {strides = array<i32>} : memref<20480x64xf32, #tpu.memory_space<vmem>>, vector<10240x64xf32>,
    %slice3A_19 = vector.extract_strided_slice %mul3A_16 {offsets = [0, 64], sizes = [10240, 64], strides = [1, 1]} : vector<10240x128xf32> to vector<10240x64xf32>
    %swap3A_20 = arith.constant 10240 : index
    %swap3A_21 = arith.constant 0 : index
    %swap3A_22 = vector.load %arg2[%swap3A_20, %swap3A_21] : memref<20480x64xf32, #tpu.memory_space<vmem>>, vector<10240x64xf32>
    tpu.vector_store %arg2[%swap3A_20, %swap3A_21], %slice3A_19 {strides = array<i32>} : memref<20480x64xf32, #tpu.memory_space<vmem>>, vector<10240x64xf32>,
    %swap3A_23 = arith.constant 0 : index
    %swap3A_24 = arith.constant 0 : index
    %swap3A_25 = vector.load %arg3[%swap3A_23, %swap3A_24] : memref<10240x1xf32, #tpu.memory_space<vmem>>, vector<10240x1xf32>
    tpu.vector_store %arg3[%swap3A_23, %swap3A_24], %rsqrt3A {strides = array<i32>} : memref<10240x1xf32, #tpu.memory_space<vmem>>, vector<10240x1xf32>,
    return
  }
}

module attributes {stable_mosaic.version = 14 : i64} {
  func.func @tc_mid(%arg0: memref<1x2x10240x64xf32, #tpu.memory_space<vmem>>, %arg1: memref<20480x64xf32, #tpu.memory_space<vmem>>, %arg2: memref<10240x1xf32, #tpu.memory_space<vmem>>, %arg3: memref<2x64xf32, #tpu.memory_space<vmem>>, %arg4: memref<2x64x64xf32, #tpu.memory_space<vmem>>, %arg5: memref<10240x64xf32, #tpu.memory_space<vmem>>) attributes {dimension_semantics = [], scalar_prefetch = 0 : i64, scratch_operands = 0 : i64, tpu.core_type = #tpu.core_type<tc>} {
    %get3A = arith.constant 0 : index
    %get3A_0 = arith.constant 0 : index
    %get3A_1 = vector.load %arg2[%get3A, %get3A_0] : memref<10240x1xf32, #tpu.memory_space<vmem>>, vector<10240x1xf32>
    %get3A_2 = arith.constant 0 : index
    %get3A_3 = arith.constant 0 : index
    %get3A_4 = arith.constant 0 : index
    %get3A_5 = arith.constant 0 : index
    %get3A_6 = vector.load %arg0[%get3A_2, %get3A_3, %get3A_4, %get3A_5] : memref<1x2x10240x64xf32, #tpu.memory_space<vmem>>, vector<1x1x10240x64xf32>
    %get3A_7 = vector.shape_cast %get3A_6 : vector<1x1x10240x64xf32> to vector<10240x64xf32>
    %get3A_8 = arith.constant 0 : index
    %get3A_9 = arith.constant 0 : index
    %get3A_10 = vector.load %arg1[%get3A_8, %get3A_9] : memref<20480x64xf32, #tpu.memory_space<vmem>>, vector<10240x64xf32>
    %add3A = arith.addf %get3A_7, %get3A_10 : vector<10240x64xf32>
    %mul3A = vector.broadcast %get3A_1 : vector<10240x1xf32> to vector<10240x64xf32>
    %mul3A_11 = arith.mulf %add3A, %mul3A : vector<10240x64xf32>
    %get3A_12 = arith.constant 0 : index
    %get3A_13 = arith.constant 0 : index
    %get3A_14 = vector.load %arg3[%get3A_12, %get3A_13] : memref<2x64xf32, #tpu.memory_space<vmem>>, vector<1x64xf32>
    %get3A_15 = vector.shape_cast %get3A_14 : vector<1x64xf32> to vector<64xf32>
    %broadcast_in_dim3A = vector.shape_cast %get3A_15 : vector<64xf32> to vector<1x64xf32>
    %add3A_16 = vector.broadcast %broadcast_in_dim3A : vector<1x64xf32> to vector<10240x64xf32>
    %add3A_17 = arith.addf %mul3A_11, %add3A_16 : vector<10240x64xf32>
    %get3A_18 = arith.constant 0 : index
    %get3A_19 = arith.constant 1 : index
    %get3A_20 = arith.constant 0 : index
    %get3A_21 = arith.constant 0 : index
    %get3A_22 = vector.load %arg0[%get3A_18, %get3A_19, %get3A_20, %get3A_21] : memref<1x2x10240x64xf32, #tpu.memory_space<vmem>>, vector<1x1x10240x64xf32>
    %get3A_23 = vector.shape_cast %get3A_22 : vector<1x1x10240x64xf32> to vector<10240x64xf32>
    %get3A_24 = arith.constant 10240 : index
    %get3A_25 = arith.constant 0 : index
    %get3A_26 = vector.load %arg1[%get3A_24, %get3A_25] : memref<20480x64xf32, #tpu.memory_space<vmem>>, vector<10240x64xf32>
    %add3A_27 = arith.addf %get3A_23, %get3A_26 : vector<10240x64xf32>
    %mul3A_28 = vector.broadcast %get3A_1 : vector<10240x1xf32> to vector<10240x64xf32>
    %mul3A_29 = arith.mulf %add3A_27, %mul3A_28 : vector<10240x64xf32>
    %get3A_30 = arith.constant 1 : index
    %get3A_31 = arith.constant 0 : index
    %get3A_32 = vector.load %arg3[%get3A_30, %get3A_31] : memref<2x64xf32, #tpu.memory_space<vmem>>, vector<1x64xf32>
    %get3A_33 = vector.shape_cast %get3A_32 : vector<1x64xf32> to vector<64xf32>
    %broadcast_in_dim3A_34 = vector.shape_cast %get3A_33 : vector<64xf32> to vector<1x64xf32>
    %add3A_35 = vector.broadcast %broadcast_in_dim3A_34 : vector<1x64xf32> to vector<10240x64xf32>
    %add3A_36 = arith.addf %mul3A_29, %add3A_35 : vector<10240x64xf32>
    %max3A = arith.constant 0.000000e+00 : f32
    %max3A_37 = vector.broadcast %max3A : f32 to vector<10240x64xf32>
    %max3A_38 = arith.maximumf %add3A_17, %max3A_37 : vector<10240x64xf32>
    %max3A_39 = arith.constant 0.000000e+00 : f32
    %max3A_40 = vector.broadcast %max3A_39 : f32 to vector<10240x64xf32>
    %max3A_41 = arith.maximumf %add3A_36, %max3A_40 : vector<10240x64xf32>
    %get3A_42 = arith.constant 0 : index
    %get3A_43 = arith.constant 0 : index
    %get3A_44 = arith.constant 0 : index
    %get3A_45 = vector.load %arg4[%get3A_42, %get3A_43, %get3A_44] : memref<2x64x64xf32, #tpu.memory_space<vmem>>, vector<1x64x64xf32>
    %get3A_46 = vector.shape_cast %get3A_45 : vector<1x64x64xf32> to vector<64x64xf32>
    %dot_general3A = arith.constant dense<0.000000e+00> : vector<10240x64xf32>
    %dot_general3A_47 = tpu.matmul %max3A_38, %get3A_46, %dot_general3A {dimension_numbers = #tpu.dot_dimension_numbers<[1], [0], [0], [1], [0, 0, 1, 1], [], []>, transpose_lhs_hint = false} : vector<10240x64xf32>, vector<64x64xf32>, vector<10240x64xf32> -> vector<10240x64xf32>
    %get3A_48 = arith.constant 1 : index
    %get3A_49 = arith.constant 0 : index
    %get3A_50 = arith.constant 0 : index
    %get3A_51 = vector.load %arg4[%get3A_48, %get3A_49, %get3A_50] : memref<2x64x64xf32, #tpu.memory_space<vmem>>, vector<1x64x64xf32>
    %get3A_52 = vector.shape_cast %get3A_51 : vector<1x64x64xf32> to vector<64x64xf32>
    %dot_general3A_53 = arith.constant dense<0.000000e+00> : vector<10240x64xf32>
    %dot_general3A_54 = tpu.matmul %max3A_41, %get3A_52, %dot_general3A_53 {dimension_numbers = #tpu.dot_dimension_numbers<[1], [0], [0], [1], [0, 0, 1, 1], [], []>, transpose_lhs_hint = false} : vector<10240x64xf32>, vector<64x64xf32>, vector<10240x64xf32> -> vector<10240x64xf32>
    %add3A_55 = arith.addf %dot_general3A_47, %dot_general3A_54 : vector<10240x64xf32>
    %mul3A_56 = vector.broadcast %get3A_1 : vector<10240x1xf32> to vector<10240x64xf32>
    %mul3A_57 = arith.mulf %add3A_55, %mul3A_56 : vector<10240x64xf32>
    %swap3A = arith.constant 0 : index
    %swap3A_58 = arith.constant 0 : index
    %swap3A_59 = vector.load %arg5[%swap3A, %swap3A_58] : memref<10240x64xf32, #tpu.memory_space<vmem>>, vector<10240x64xf32>
    tpu.vector_store %arg5[%swap3A, %swap3A_58], %mul3A_57 {strides = array<i32>} : memref<10240x64xf32, #tpu.memory_space<vmem>>, vector<10240x64xf32>,
    return
  }
}

module attributes {stable_mosaic.version = 14 : i64} {
  func.func @tc_last(%arg0: memref<1x2x10240x64xf32, #tpu.memory_space<vmem>>, %arg1: memref<10240x64xf32, #tpu.memory_space<vmem>>, %arg2: memref<10240x1xf32, #tpu.memory_space<vmem>>, %arg3: memref<64xf32, #tpu.memory_space<vmem>>, %arg4: memref<10000x64xf32, #tpu.memory_space<vmem>>) attributes {dimension_semantics = [], scalar_prefetch = 0 : i64, scratch_operands = 0 : i64, tpu.core_type = #tpu.core_type<tc>} {
    %get3A = arith.constant 0 : index
    %get3A_0 = arith.constant 0 : index
    %get3A_1 = arith.constant 0 : index
    %get3A_2 = arith.constant 0 : index
    %get3A_3 = vector.load %arg0[%get3A, %get3A_0, %get3A_1, %get3A_2] : memref<1x2x10240x64xf32, #tpu.memory_space<vmem>>, vector<1x1x10000x64xf32>
    %get3A_4 = vector.shape_cast %get3A_3 : vector<1x1x10000x64xf32> to vector<10000x64xf32>
    %get3A_5 = arith.constant 0 : index
    %get3A_6 = arith.constant 1 : index
    %get3A_7 = arith.constant 0 : index
    %get3A_8 = arith.constant 0 : index
    %get3A_9 = vector.load %arg0[%get3A_5, %get3A_6, %get3A_7, %get3A_8] : memref<1x2x10240x64xf32, #tpu.memory_space<vmem>>, vector<1x1x10000x64xf32>
    %get3A_10 = vector.shape_cast %get3A_9 : vector<1x1x10000x64xf32> to vector<10000x64xf32>
    %add3A = arith.addf %get3A_4, %get3A_10 : vector<10000x64xf32>
    %get3A_11 = arith.constant 0 : index
    %get3A_12 = arith.constant 0 : index
    %get3A_13 = vector.load %arg1[%get3A_11, %get3A_12] : memref<10240x64xf32, #tpu.memory_space<vmem>>, vector<10000x64xf32>
    %add3A_14 = arith.addf %add3A, %get3A_13 : vector<10000x64xf32>
    %get3A_15 = arith.constant 0 : index
    %get3A_16 = arith.constant 0 : index
    %get3A_17 = vector.load %arg2[%get3A_15, %get3A_16] : memref<10240x1xf32, #tpu.memory_space<vmem>>, vector<10000x1xf32>
    %mul3A = vector.broadcast %get3A_17 : vector<10000x1xf32> to vector<10000x64xf32>
    %mul3A_18 = arith.mulf %add3A_14, %mul3A : vector<10000x64xf32>
    %get3A_19 = arith.constant 0 : index
    %get3A_20 = vector.load %arg3[%get3A_19] : memref<64xf32, #tpu.memory_space<vmem>>, vector<64xf32>
    %broadcast_in_dim3A = vector.shape_cast %get3A_20 : vector<64xf32> to vector<1x64xf32>
    %add3A_21 = vector.broadcast %broadcast_in_dim3A : vector<1x64xf32> to vector<10000x64xf32>
    %add3A_22 = arith.addf %mul3A_18, %add3A_21 : vector<10000x64xf32>
    %reduce_max3A = arith.constant dense<0xFF800000> : vector<10000xf32>
    %reduce_max3A_23 = vector.multi_reduction <maximumf>, %add3A_22, %reduce_max3A [1] : vector<10000x64xf32> to vector<10000xf32>
    %broadcast_in_dim3A_24 = vector.shape_cast %reduce_max3A_23 : vector<10000xf32> to vector<10000x1xf32>
    %sub3A = vector.broadcast %broadcast_in_dim3A_24 : vector<10000x1xf32> to vector<10000x64xf32>
    %sub3A_25 = arith.subf %add3A_22, %sub3A : vector<10000x64xf32>
    %exp3A = math.exp %sub3A_25 : vector<10000x64xf32>
    %reduce_sum3A = arith.constant dense<0.000000e+00> : vector<10000xf32>
    %reduce_sum3A_26 = vector.multi_reduction <add>, %exp3A, %reduce_sum3A [1] : vector<10000x64xf32> to vector<10000xf32>
    %broadcast_in_dim3A_27 = vector.shape_cast %reduce_sum3A_26 : vector<10000xf32> to vector<10000x1xf32>
    %log3A = math.log %broadcast_in_dim3A_27 : vector<10000x1xf32>
    %add3A_28 = arith.addf %log3A, %broadcast_in_dim3A_24 : vector<10000x1xf32>
    %sub3A_29 = vector.broadcast %add3A_28 : vector<10000x1xf32> to vector<10000x64xf32>
    %sub3A_30 = arith.subf %add3A_22, %sub3A_29 : vector<10000x64xf32>
    %swap3A = arith.constant 0 : index
    %swap3A_31 = arith.constant 0 : index
    %swap3A_32 = vector.load %arg4[%swap3A, %swap3A_31] : memref<10000x64xf32, #tpu.memory_space<vmem>>, vector<10000x64xf32>
    tpu.vector_store %arg4[%swap3A, %swap3A_31], %sub3A_30 {strides = array<i32>} : memref<10000x64xf32, #tpu.memory_space<vmem>>, vector<10000x64xf32>,
    return
  }
}

</mosaic_0001>

<sc_bundles>
// kernel: kernel.12.cloned.1.call-start
scs
__scs_entry_jumppad:
0x0: {  	(pc) =	sbr.rel $0x88, $3  }
0x1: {  	(tag) =	ssettag $0x0;
	lr =	simm.s32 $0x1  }
0x2: {  	[smem:$0x3F9B] =	sst lr;
	_ =	strace $0xD0000000  }
0x3: {  	_ = 	snop  }
0x4: {  	_ = 	snop  }
0x5: {  	_ = 	snop  }
0x6: {  	_ = 	snop  }
0x7: {  	_ = 	snop  }
__scs_overlays_trampoline_lowered:
0x8: {  	[smem:$0x3FAA] =	sst s0  }
0x9: {  	[smem:$0x3FAB] =	sst s1  }
0xa: {  	[smem:$0x3FAC] =	sst s2  }
0xb: {  	[smem:$0x3FAD] =	sst s3  }
0xc: {  	[smem:$0x3FAE] =	sst s4  }
0xd: {  	[smem:$0x3FAF] =	sst s5  }
0xe: {  	[smem:$0x3FB0] =	sst s6  }
0xf: {  	[smem:$0x3FB1] =	sst s7  }
0x10: {  	[smem:$0x3FB2] =	sst s8  }
0x11: {  	[smem:$0x3FB3] =	sst s9;
	s0 =	simm.s32 @!p0 $0x0  }
0x12: {  	s1 =	sld [smem:$0x3F99];
	s0 =	simm.s32 @p0 $0x1  }
0x13: {  	[smem:$0x3FB4] =	sst s0;
	s0 =	simm.s32 @!p1 $0x0  }
0x14: {  	s2 =	sld [smem:$0x3F98];
	s0 =	simm.s32 @p1 $0x1  }
0x15: {  	[smem:$0x3FB5] =	sst s0;
	s0 =	simm.s32 @!p2 $0x0  }
0x16: {  	s3 =	sld [smem:$0x3FDB];
	s0 =	simm.s32 @p2 $0x1  }
0x17: {  	s4 =	simm.s32 $0x1BF5;
	[smem:$0x3FB7] =	sst s0  }
0x18: {  	s0 =	sld [smem:$0x3F9A];
	_ =	swait.ge [sflag:s4], $0x0  }
0x19: {  	s7 =	sld [smem:$0x3F9B]  }
0x1a: {  	s8 =	sadd.s32 $0xFFFFE003, lr  }
0x1b: {  	s9 =	sadd.s32 $0xFFFFFEF7, lr;
	s5 =	simm.s32 $0xFFFFFFFF;
	p2 =	slt.u32 s8, $0xFFFFF086  }
0x1c: {  	p1 =	slt.u32 s9, $0xF7A;
	s5 =	simm.s32 @!p2 $0x0  }
0x1d: {  	s5 =	simm.s32 @p1 $0x1;
	p0 =	seq.s32 s7, s2  }
0x1e: {  	s7 =	smul.u32 @!p0 $0xF7A, s2;
	p2 =	seq.s32 @!p0 s5, $0x0  }
0x1f: {  	s9 =	smul.u32 $0xF7A, s1;
	s8 =	simm.s32 @!p0 $0x1BF5;
	p2 =	por !p2, p0  }
0x20: {  	[sflag:s8] =	ssyncset.s32 @!p0 $0xFFFFF086;
	s6 =	sadd.s32 @!p0 s3, s7;
	s7 =	simm.s32 @!p0 $0x108  }
0x21: {  	s3 =	sadd.s32 s3, s9;
	s6 =	sadd.s32 @!p0 $0x88, s6;
	s7 =	simm.s32 @p2 $0x1082  }
0x22: {  	[simem:s7], [sflag:s8] =	dma.local @!p0 [hbm:s6], $0xF7A  }
0x23: {  	s9 =	sor.u32 $0xD0000000, s2;
	s6 =	simm.s32 $0x108;
	_ =	swait.ge @!p0 [sflag:s8], $0x0  }
0x24: {  	s3 =	sadd.s32 $0x88, s3;
	s6 =	simm.s32 @!p1 $0x1082;
	[sflag:s4] =	ssyncset.s32 $0xFFFFF086  }
0x25: {  	[simem:s6], [sflag:s4] =	dma.local [hbm:s3], $0xF7A  }
0x26: {  	[smem:$0x3F9B] =	sst s1;
	(tag) =	ssettag s2;
	_ =	strace s9  }
0x27: {  	s1 =	sld [smem:$0x3FAB]  }
0x28: {  	s2 =	sld [smem:$0x3FAC]  }
0x29: {  	s4 =	sld [smem:$0x3FAE]  }
0x2a: {  	p0 =	seq.s32 s5, $0x0;
	s5 =	sld [smem:$0x3FAF]  }
0x2b: {  	s6 =	sld [smem:$0x3FB0]  }
0x2c: {  	s7 =	sld [smem:$0x3FB1]  }
0x2d: {  	s3 =	simm.s32 $0x108;
	s8 =	sld [smem:$0x3FB2]  }
0x2e: {  	s3 =	simm.s32 @!p0 $0x1082;
	s9 =	sld [smem:$0x3FB3]  }
0x2f: {  	lr =	sadd.s32 s0, s3;
	s0 =	sld [smem:$0x3FAA]  }
0x30: {  	s3 =	sld [smem:$0x3FAD]  }
0x31: {  	[smem:$0x3FB6] =	sst s10  }
0x32: {  	s10 =	sld [smem:$0x3FB4];
	_ =	sdelay $0x3  }
0x33: {  	p0 =	seq.s32 s10, $0x1;
	s10 =	sld [smem:$0x3FB6];
	_ =	sdelay $0x3  }
0x34: {  	[smem:$0x3FB6] =	sst s10  }
0x35: {  	s10 =	sld [smem:$0x3FB5];
	_ =	sdelay $0x3  }
0x36: {  	p1 =	seq.s32 s10, $0x1;
	s10 =	sld [smem:$0x3FB6];
	_ =	sdelay $0x3  }
0x37: {  	[smem:$0x3FB6] =	sst s10  }
0x38: {  	s10 =	sld [smem:$0x3FB7]  }
0x39: {  	_ = 	snop;
	(pc) =	sbr.ind lr, $3  }
0x3a: {  	_ = 	snop  }
0x3b: {  	_ = 	snop  }
0x3c: {  	p2 =	seq.s32 s10, $0x1;
	s10 =	sld [smem:$0x3FB6]  }
0x3d: {  	_ =	shalt  }
0x3e: {  	_ =	shalt  }
0x3f: {  	_ =	shalt  }
0x40: {  	_ =	shalt  }
0x41: {  	_ =	shalt  }
0x42: {  	_ =	shalt  }
0x43: {  	_ =	shalt  }
0x44: {  	_ =	shalt  }
0x45: {  	_ =	shalt  }
0x46: {  	_ =	shalt  }
0x47: {  	_ =	shalt  }
0x48: {  	_ =	shalt  }
0x49: {  	_ =	shalt  }
0x4a: {  	_ =	shalt  }
0x4b: {  	_ =	shalt  }
0x4c: {  	_ =	shalt  }
0x4d: {  	_ =	shalt  }
0x4e: {  	_ =	shalt  }
0x4f: {  	_ =	shalt  }
0x50: {  	_ =	shalt  }
0x51: {  	_ =	shalt  }
0x52: {  	_ =	shalt  }
0x53: {  	_ =	shalt  }
0x54: {  	_ =	shalt  }
0x55: {  	_ =	shalt  }
0x56: {  	_ =	shalt  }
0x57: {  	_ =	shalt  }
0x58: {  	_ =	shalt  }
0x59: {  	_ =	shalt  }
0x5a: {  	_ =	shalt  }
0x5b: {  	_ =	shalt  }
0x5c: {  	_ =	shalt  }
0x5d: {  	_ =	shalt  }
0x5e: {  	_ =	shalt  }
0x5f: {  	_ =	shalt  }
0x60: {  	_ =	shalt  }
0x61: {  	_ =	shalt  }
0x62: {  	_ =	shalt  }
0x63: {  	_ =	shalt  }
0x64: {  	_ =	shalt  }
0x65: {  	_ =	shalt  }
0x66: {  	_ =	shalt  }
0x67: {  	_ =	shalt  }
0x68: {  	_ =	shalt  }
0x69: {  	_ =	shalt  }
0x6a: {  	_ =	shalt  }
0x6b: {  	_ =	shalt  }
0x6c: {  	_ =	shalt  }
0x6d: {  	_ =	shalt  }
0x6e: {  	_ =	shalt  }
0x6f: {  	_ =	shalt  }
0x70: {  	_ =	shalt  }
0x71: {  	_ =	shalt  }
0x72: {  	_ =	shalt  }
0x73: {  	_ =	shalt  }
0x74: {  	_ =	shalt  }
0x75: {  	_ =	shalt  }
0x76: {  	_ =	shalt  }
0x77: {  	_ =	shalt  }
0x78: {  	_ =	shalt  }
0x79: {  	_ =	shalt  }
0x7a: {  	_ =	shalt  }
0x7b: {  	_ =	shalt  }
0x7c: {  	_ =	shalt  }
0x7d: {  	_ =	shalt  }
0x7e: {  	_ =	shalt  }
0x7f: {  	_ =	shalt  }
0x80: {  	_ =	shalt  }
0x81: {  	_ =	shalt  }
0x82: {  	_ =	shalt  }
0x83: {  	_ =	shalt  }
0x84: {  	_ =	shalt  }
0x85: {  	_ =	shalt  }
0x86: {  	_ =	shalt  }
0x87: {  	_ =	shalt  }
.Lfunc_end0:
.L_simem_size_0:
called_computation.1_lowered:
.L_overlay_start_0:
0x88: {  	s2 =	sld [smem:$0x3FD9]  }
0x89: {  	s3 =	sld [smem:$0x3FFE];
	_ =	sdelay $0x1  }
0x8a: {  	s1 =	srdreg.scid  }
0x8b: {  	s0 =	sand.u32 $0x1, s1  }
0x8c: {  	s16 =	sshll.u32 s0, $0xA;
	s2 =	sadd.s32 s3, s2  }
0x8d: {  	s2 =	sadd.s32 s2, s16  }
0x8e: {  	[smem:$0x3FC2] =	sst s2  }
0x8f: {  	_ = 	snop  }
0x90: {  	(tm) =	ssettm $0x1  }
0x91: {  	s17 =	sld [smem:$0x3FFB];
	_ =	sdelay $0x3  }
0x92: {  	_ =	strace s17  }
0x93: {  	s2 =	sld [smem:$0x3FFC];
	_ =	sdelay $0x3  }
0x94: {  	_ =	strace s2  }
0x95: {  	s2 =	sld [smem:$0x3FFD];
	_ =	sdelay $0x3  }
0x96: {  	_ =	strace s2  }
0x97: {  	_ =	strace $0x8FFFFFFF  }
0x98: {  	s18 =	sld [smem:$0x3FDB];
	_ =	sdelay $0x1  }
0x99: {  	s19 =	simm.s32 $_scs_section_size  }
0x9a: {  	s4 =	simm.s32 $_size__tile_overlayer_lowered;
	s5 =	simm.s32 $_tile_overlayer_lowered  }
0x9b: {  	s22 =	simm.s32 $0x1BFF;
	s21 =	sshll.u32 s5, $0x1;
	s2 =	sadd.s32 s19, s18  }
0x9c: {  	s6 =	simm.s32 $0x0;
	s20 =	sshll.u32 s4, $0x1;
	s4 =	sadd.s32 s21, s2  }
0x9d: {  	[timem:s6], [sflag:s22] =	dma.local [hbm:s4], s20  }
0x9e: {  	_ =	swait.ge [sflag:s22], s20  }
0x9f: {  	s3 =	ssub.s32 $0x0, s20;
	[sflag:s22] =	ssyncset.done $0x0  }
0xa0: {  	[sflag:s22] =	ssyncadd.s32 s3;
	_ =	sdelay $0x1  }
0xa1: {  	s23 =	simm.s32 $0x1B8B  }
0xa2: {  	_ =	swait.ge [sflag:s23], $0x1  }
0xa3: {  	[sflag:s23] =	ssyncset.done $0x0  }
0xa4: {  	s25 =	simm.s32 $0x1B8E;
	s24 =	sld [smem:$0x3FFE];
	[sflag:s23] =	ssyncadd.s32 $0xFFFFFFFF  }
0xa5: {  	s26 =	simm.s32 $execute0_lowered;
	[smem:$0x3FD2] =	sst s25  }
0xa6: {  	s4 =	sshll.u32 s26, $0x1;
	_ =	strace $0x80000049;
	[dreg:$0x1] =	wrdreg $0xFFFFFFFF  }
0xa7: {  	s28 =	simm.s32 $_size_execute0_lowered;
	s2 =	sadd.s32 s2, s4;
	[dreg:$0x0] =	wrdreg $0x0  }
0xa8: {  	s4 =	sshll.u32 s28, $0x1;
	[dreg:$0x2] =	wrdreg s2  }
0xa9: {  	[dreg:$0x3] =	wrdreg s4  }
0xaa: {  	[dreg:$0x4] =	wrdreg $0xC0  }
0xab: {  	_ =	task [dreg:s6], $0x5FFFF  }
0xac: {  	[dreg:$0x1] =	wrdreg $0xFFFFFFFF  }
0xad: {  	[dreg:$0x0] =	wrdreg $0x60  }
0xae: {  	[dreg:$0x2] =	wrdreg s24  }
0xaf: {  	[dreg:$0x3] =	wrdreg $0x100000  }
0xb0: {  	[dreg:$0x4] =	wrdreg $0x9  }
0xb1: {  	_ =	task.clear_ibuf [dreg:s6], $0x5FFFF;
	_ =	strace $0x90000049  }
0xb2: {  	s29 =	simm.s32 $0x9;
	_ =	strace $0x8000004B  }
0xb3: {  	_ =	swait.ge [sflag:s29], $0x1  }
0xb4: {  	[sflag:s29] =	ssyncadd.s32 $0xFFFFFFFF  }
0xb5: {  	_ =	strace $0x9000004B  }
0xb6: {  	_ =	sfence  }
0xb7: {  	s30 =	sld [smem:$0x0];
	_ =	sdelay $0x2  }
0xb8: {  	s31 =	sshll.u32 s1, $0xD;
	s1 =	sshrl.u32 s1, $0x2  }
0xb9: {  	s3 =	sand.u32 $0x4000, s31;
	s1 =	sadd.s32 s1, s30  }
0xba: {  	s0 =	sor.u32 s3, s0;
	s1 =	sshll.u32 s1, $0x11  }
0xbb: {  	s0 =	sor.u32 s1, s0  }
0xbc: {  	s0 =	sadd.s32 $0x8F2B, s0  }
0xbd: {  	[sflag:s0] =	ssyncadd.remote.s32 $0x1  }
0xbe: {  	_ =	sfence.sel $0xFFFF  }
0xbf: {  	[dreg:$0x0] =	wrdreg $0xFFFFFFFF;
	(pc) =	sbr.abs _section_cstart, $3  }
0xc0: {  	[dreg:$0x1] =	wrdreg $0xFFFFFFFF  }
0xc1: {  	_ =	task.clear_ibuf [dreg:s6], $0x2FFFF;
	_ =	strace $0x9FFFFFFF  }
0xc2: {  	(tm) =	ssettm $0x7FFFFFFF  }
0xc3: {  	_ =	shalt  }
tec
execute0_lowered:
.L_overlay_start_1:
0x0: {  	(tag) =	ssettag $0x1  }
0x1: {  	s5 =	rddreg [dreg:$0x0]  }
0x2: {  	s2 =	rddreg [dreg:$0x1]  }
0x3: {  	s0 =	srdreg.scid;
	s1 =	rddreg [dreg:$0x2];
	s3 =	simm.s32 $0x0  }
0x4: {  	s14 =	simm.s32 $0x5000;
	s15 =	simm.s32 $0x5;
	s16 =	simm.s32 $0xE000  }
0x5: {  	s17 =	simm.s32 $0x80;
	s18 =	simm.s32 $0xA000;
	s6 =	sand.u32 $0x1, s0  }
0x6: {  	s19 =	simm.s32 $0xC000;
	s0 =	stileid.u32;
	s4 =	smul.u32 $0x50000, s6  }
0x7: {  	s20 =	simm.s32 $0x1;
	s21 =	simm.s32 $0x2;
	s7 =	smul.u32 $0x5000, s0  }
0x8: {  	s22 =	simm.s32 $0x3;
	s23 =	simm.s32 $0x4;
	s30 =	smul.u32 $0xA000, s0  }
0x9: {  	s24 =	simm.s32 $0x9F00;
	s25 =	simm.s32 $0x9F80;
	s8 =	smul.u32 $0xA0000, s6  }
0xa: {  	[smem:$0x7FF] =	sst s3;
	s9 =	smul.u32 $0x28000, s0;
	s6 =	ssub.s32 $0x2, s6  }
0xb: {  	_ =	strace $0x8000004A;
	s10 =	sshrl.u32 s6, $0x1;
	s4 =	sadd.s32 s7, s4  }
0xc: {  	s8 =	sadd.s32 s30, s8;
	s9 =	sshrl.u32 s9, $0x2;
	s13 =	ssub.s32 s6, s10  }
0xd: {  	s6 =	sadd.s32 s30, s2;
	s4 =	sshrl.u32 s4, $0x3;
	s8 =	sshrl.u32 s8, $0x3  }
0xe: {  	s31 =	sadd.s32 s9, s2;
	s13 =	smax.u32 s13, $0x1;
	s11 =	sadd.s32 s4, s5  }
0xf: {  	s4 =	sadd.s32 $0x8DC00, s5;
	s12 =	sadd.s32 s8, s5;
	s7 =	sadd.s32 $0x2000, s31  }
0x10: {  	s8 =	sadd.s32 $0x4000, s31;
	s9 =	sadd.s32 $0x6000, s31;
	s10 =	sadd.s32 $0x8000, s31  }
0x11: {  	v0 =	vimm.f32 $0.0e+00;
	s5 =	sadd.s32 $0x29C00, s11;
	s11 =	sadd.s32 $0x15C00, s11;
	s12 =	sadd.s32 $0xB5C00, s12  }
.LBB2_1:
0x12: {  	s28 =	simm.s32 $0x100;
	s26 =	simm.s32 $0x0  }
.LBB2_2:
0x13: {  	p0 =	sne.s32 s28, $0x7F00;
	[tilespmem:s26+$0xE030] =	vst v0;
	s29 =	smov.u32 s28;
	s28 =	sadd.s32 $0x100, s28  }
.Ltmp0:
0x14: {  	[tilespmem:s26+$0xE020] =	vst v0;
	(pc) =	sbr.rel @p0 .LBB2_2-.Ltmp0, $3  }
0x15: {  	[tilespmem:s26+$0xE000] =	vst v0  }
0x16: {  	[tilespmem:s26+$0xE010] =	vst v0;
	_ =	sdelay $0x1  }
0x17: {  	s26 =	sshra.s32 s29, $0x2  }
0x18: {  	[tilespmem:s26+$0xE030] =	vst v0  }
0x19: {  	[tilespmem:s26+$0xE020] =	vst v0  }
0x1a: {  	[tilespmem:s26+$0xE000] =	vst v0  }
0x1b: {  	[tilespmem:s26+$0xE010] =	vst v0;
	s31 =	simm.s32 $0x0  }
0x1c: {  	[tilespmem:s14], [sflag:$0x5] =	stream.linear.gather [hbm4b:s5+s31], $0x5000, $0x38;
	[tilespmem:$0x1A000] =	vst v63  }
0x1d: {  	_ =	swait.ge [sflag:s15], $0x5000  }
0x1e: {  	[sflag:s15] =	ssyncset.done $0x0  }
0x1f: {  	[sflag:s15] =	ssyncadd.s32 $0xFFFFB000  }
0x20: {  	[spmem:s6] =	stream.linear.scatter [tilespmem:s16], [sflag:$0x5], $0x2000, $0x38;
	[tilespmem:$0x1A000] =	vst v63  }
0x21: {  	_ =	swait.ge [sflag:s15], $0x2000  }
0x22: {  	[sflag:s15] =	ssyncset.done $0x0  }
0x23: {  	[sflag:s15] =	ssyncadd.s32 $0xFFFFE000  }
0x24: {  	[spmem:s7] =	stream.linear.scatter [tilespmem:s16], [sflag:$0x5], $0x2000, $0x38;
	[tilespmem:$0x1A000] =	vst v63  }
0x25: {  	_ =	swait.ge [sflag:s15], $0x2000  }
0x26: {  	[sflag:s15] =	ssyncset.done $0x0  }
0x27: {  	[sflag:s15] =	ssyncadd.s32 $0xFFFFE000  }
0x28: {  	[spmem:s8] =	stream.linear.scatter [tilespmem:s16], [sflag:$0x5], $0x2000, $0x38;
	[tilespmem:$0x1A000] =	vst v63  }
0x29: {  	_ =	swait.ge [sflag:s15], $0x2000  }
0x2a: {  	[sflag:s15] =	ssyncset.done $0x0  }
0x2b: {  	[sflag:s15] =	ssyncadd.s32 $0xFFFFE000  }
0x2c: {  	[spmem:s9] =	stream.linear.scatter [tilespmem:s16], [sflag:$0x5], $0x2000, $0x38;
	[tilespmem:$0x1A000] =	vst v63  }
0x2d: {  	_ =	swait.ge [sflag:s15], $0x2000  }
0x2e: {  	[sflag:s15] =	ssyncset.done $0x0  }
0x2f: {  	[sflag:s15] =	ssyncadd.s32 $0xFFFFE000  }
0x30: {  	[spmem:s10] =	stream.linear.scatter [tilespmem:s16], [sflag:$0x5], $0x2000, $0x38;
	[tilespmem:$0x1A000] =	vst v63  }
0x31: {  	_ =	swait.ge [sflag:s15], $0x2000  }
0x32: {  	[sflag:s15] =	ssyncset.done $0x0  }
0x33: {  	[sflag:s15] =	ssyncadd.s32 $0xFFFFE000  }
0x34: {  	[tilespmem:s31], [sflag:$0x5] =	stream.linear.gather [hbm4b:s11+s31], $0x5000, $0x38;
	[tilespmem:$0x1A000] =	vst v63  }
0x35: {  	_ =	swait.ge [sflag:s15], $0x5000  }
0x36: {  	[sflag:s15] =	ssyncset.done $0x0  }
0x37: {  	[sflag:s15] =	ssyncadd.s32 $0xFFFFB000  }
0x38: {  	[bflag:$0x0] =	sbarrier.arrive $0xFFFF  }
0x39: {  	[tilespmem:s18], [sflag:$0x1] =	stream.indirect.gather [hbm4b:s4+s17], $0x40, s31, s17, $0xb8;
	[tilespmem:$0x1A000] =	vst v63  }
0x3a: {  	_ = 	snop  }
0x3b: {  	[tilespmem:s19], [sflag:$0x2] =	stream.indirect.gather [hbm4b:s4+s17], $0x40, s17, s17, $0xb8;
	[tilespmem:$0x1A000] =	vst v63  }
0x3c: {  	_ =	swait.ge [sflag:s20], $0x2000  }
0x3d: {  	[sflag:s20] =	ssyncset.done $0x0  }
0x3e: {  	s29 =	simm.s32 $0x5000;
	[sflag:s20] =	ssyncadd.s32 $0xFFFFE000  }
0x3f: {  	[spmem:s2] =	stream.indirect.scatter.add.f32 [tilespmem:s18], [sflag:$0x3], $0x40, s29, s17, $0xb8;
	[tilespmem:$0x1A000] =	vst v63  }
0x40: {  	_ =	swait.ge [sflag:s21], $0x2000  }
0x41: {  	[sflag:s21] =	ssyncset.done $0x0  }
0x42: {  	s30 =	simm.s32 $0x5080;
	[sflag:s21] =	ssyncadd.s32 $0xFFFFE000  }
0x43: {  	[spmem:s2] =	stream.indirect.scatter.add.f32 [tilespmem:s19], [sflag:$0x4], $0x40, s30, s17, $0xb8;
	[tilespmem:$0x1A000] =	vst v63  }
0x44: {  	_ =	swait.ge [sflag:s22], $0x2000  }
0x45: {  	[sflag:s22] =	ssyncset.done $0x0  }
0x46: {  	s31 =	simm.s32 $0x100;
	[sflag:s22] =	ssyncadd.s32 $0xFFFFE000  }
0x47: {  	[tilespmem:s18], [sflag:$0x1] =	stream.indirect.gather [hbm4b:s4+s17], $0x40, s31, s17, $0xb8;
	[tilespmem:$0x1A000] =	vst v63  }
0x48: {  	_ =	swait.ge [sflag:s23], $0x2000  }
0x49: {  	[sflag:s23] =	ssyncset.done $0x0  }
0x4a: {  	s26 =	simm.s32 $0x400;
	s28 =	simm.s32 $0x180;
	[sflag:s23] =	ssyncadd.s32 $0xFFFFE000  }
.LBB2_4:
0x4b: {  	[tilespmem:s19], [sflag:$0x2] =	stream.indirect.gather [hbm4b:s4+s17], $0x40, s28, s17, $0xb8;
	[tilespmem:$0x1A000] =	vst v63  }
0x4c: {  	s28 =	smov.u32 s26  }
0x4d: {  	p0 =	sne.s32 s26, $0x13800;
	s26 =	sadd.s32 $0x400, s26;
	_ =	swait.ge [sflag:s20], $0x2000  }
0x4e: {  	s28 =	sshra.s32 s28, $0x2;
	[sflag:s20] =	ssyncset.done $0x0  }
0x4f: {  	s29 =	sadd.s32 $0x5000, s28;
	[sflag:s20] =	ssyncadd.s32 $0xFFFFE000  }
0x50: {  	[spmem:s2] =	stream.indirect.scatter.add.f32 [tilespmem:s18], [sflag:$0x3], $0x40, s29, s17, $0xb8;
	[tilespmem:$0x1A000] =	vst v63  }
0x51: {  	_ =	swait.ge [sflag:s21], $0x2000  }
0x52: {  	[sflag:s21] =	ssyncset.done $0x0  }
0x53: {  	s29 =	sadd.s32 $0x5080, s28;
	[sflag:s21] =	ssyncadd.s32 $0xFFFFE000  }
0x54: {  	[spmem:s2] =	stream.indirect.scatter.add.f32 [tilespmem:s19], [sflag:$0x4], $0x40, s29, s17, $0xb8;
	[tilespmem:$0x1A000] =	vst v63  }
0x55: {  	_ =	swait.ge [sflag:s22], $0x2000  }
0x56: {  	[sflag:s22] =	ssyncset.done $0x0  }
.Ltmp1:
0x57: {  	s29 =	sadd.s32 $0x100, s28;
	[sflag:s22] =	ssyncadd.s32 $0xFFFFE000;
	(pc) =	sbr.rel @p0 .LBB2_4-.Ltmp1, $4  }
0x58: {  	[tilespmem:s18], [sflag:$0x1] =	stream.indirect.gather [hbm4b:s4+s17], $0x40, s29, s17, $0xb8;
	[tilespmem:$0x1A000] =	vst v63  }
0x59: {  	_ =	swait.ge [sflag:s23], $0x2000  }
0x5a: {  	[sflag:s23] =	ssyncset.done $0x0  }
0x5b: {  	s28 =	sadd.s32 $0x180, s28;
	[sflag:s23] =	ssyncadd.s32 $0xFFFFE000  }
0x5c: {  	[tilespmem:s19], [sflag:$0x2] =	stream.indirect.gather [hbm4b:s4+s17], $0x40, s28, s17, $0xb8;
	[tilespmem:$0x1A000] =	vst v63  }
0x5d: {  	_ =	swait.ge [sflag:s20], $0x2000  }
0x5e: {  	[sflag:s20] =	ssyncset.done $0x0  }
0x5f: {  	[sflag:s20] =	ssyncadd.s32 $0xFFFFE000  }
0x60: {  	[spmem:s2] =	stream.indirect.scatter.add.f32 [tilespmem:s18], [sflag:$0x3], $0x40, s24, s17, $0xb8;
	[tilespmem:$0x1A000] =	vst v63  }
0x61: {  	_ =	swait.ge [sflag:s21], $0x2000  }
0x62: {  	[sflag:s21] =	ssyncset.done $0x0  }
0x63: {  	[sflag:s21] =	ssyncadd.s32 $0xFFFFE000  }
0x64: {  	[spmem:s2] =	stream.indirect.scatter.add.f32 [tilespmem:s19], [sflag:$0x4], $0x40, s25, s17, $0xb8;
	[tilespmem:$0x1A000] =	vst v63  }
0x65: {  	_ =	swait.ge [sflag:s22], $0x2000  }
0x66: {  	[sflag:s22] =	ssyncset.done $0x0  }
0x67: {  	[sflag:s22] =	ssyncadd.s32 $0xFFFFE000  }
0x68: {  	_ =	swait.ge [sflag:s23], $0x2000  }
0x69: {  	s26 =	sshll.u32 s0, $0x6;
	s3 =	sadd.s32 $0x1, s3;
	[sflag:s23] =	ssyncset.done $0x0  }
0x6a: {  	s31 =	sshrl.u32 s6, $0x3;
	p0 =	sne.s32 s3, s13;
	[sflag:s23] =	ssyncadd.s32 $0xFFFFE000  }
.Ltmp2:
0x6b: {  	s26 =	sor.u32 $0x1C05, s26;
	[bflag:$0x0] =	sbarrier.arrive $0xFFFF;
	(pc) =	sbr.rel @p0 .LBB2_1-.Ltmp2, $4  }
0x6c: {  	[hbm:s12], [sflag:s26] =	dma.local [spmem:s31], $0x1400  }
0x6d: {  	_ =	swait.ge [sflag:s15], $0x1400  }
0x6e: {  	[sflag:s15] =	ssyncset.done $0x0  }
0x6f: {  	[sflag:s15] =	ssyncadd.s32 $0xFFFFEC00  }
0x70: {  	_ =	sfence.sel $0x180000  }
0x71: {  	[bflag:$0x0] =	sbarrier.arrive $0xFFFF  }
0x72: {  	p0 =	sne.s32 s0, $0x0;
	_ =	strace $0x9000004A  }
0x73: {  	s0 =	sadd.s32 @!p0 $0x100000, s1;
	[bflag:$0x2] =	sbarrier.arrive $0xFFFF  }
0x74: {  	[sflag:s0] =	ssyncadd.tile.s32 @!p0 $0x1;
	_ =	shalt  }
.Lfunc_end2:
_tile_overlayer_lowered:
.L_overlay_start_2:
0x75: {  	(tag) =	ssettag $0x2  }
0x76: {  	s0 =	rddreg [dreg:$0x0];
	s2 =	stileid.u32  }
0x77: {  	s1 =	rddreg [dreg:$0x1];
	p0 =	sne.s32 s2, $0x0  }
0x78: {  	s3 =	rddreg [dreg:$0x2];
	[bflag:$0x3] =	sbarrier.arrive $0xFFFF;
	s2 =	simm.s32 @!p0 $0x1C05  }
0x79: {  	[timem:s3], [sflag:s2] =	dma.local @!p0 [hbm:s0], s1  }
0x7a: {  	s0 =	simm.s32 @!p0 $0x5  }
0x7b: {  	_ =	swait.ge @!p0 [sflag:s0], s1  }
0x7c: {  	s1 =	ssub.s32 @!p0 $0x0, s1;
	[sflag:s0] =	ssyncset.done @!p0 $0x0  }
0x7d: {  	[sflag:s0] =	ssyncadd.s32 @!p0 s1  }
0x7e: {  	[bflag:$0x3] =	sbarrier.arrive $0xFFFF  }
0x7f: {  	_ =	shalt  }

// kernel: kernel.15.cloned.1.call-start
scs
__scs_entry_jumppad:
0x0: {  	(pc) =	sbr.rel $0x88, $3  }
0x1: {  	(tag) =	ssettag $0x0;
	lr =	simm.s32 $0x1  }
0x2: {  	[smem:$0x3F9B] =	sst lr;
	_ =	strace $0xD0000000  }
0x3: {  	_ = 	snop  }
0x4: {  	_ = 	snop  }
0x5: {  	_ = 	snop  }
0x6: {  	_ = 	snop  }
0x7: {  	_ = 	snop  }
__scs_overlays_trampoline_lowered:
0x8: {  	[smem:$0x3FAA] =	sst s0  }
0x9: {  	[smem:$0x3FAB] =	sst s1  }
0xa: {  	[smem:$0x3FAC] =	sst s2  }
0xb: {  	[smem:$0x3FAD] =	sst s3  }
0xc: {  	[smem:$0x3FAE] =	sst s4  }
0xd: {  	[smem:$0x3FAF] =	sst s5  }
0xe: {  	[smem:$0x3FB0] =	sst s6  }
0xf: {  	[smem:$0x3FB1] =	sst s7  }
0x10: {  	[smem:$0x3FB2] =	sst s8  }
0x11: {  	[smem:$0x3FB3] =	sst s9;
	s0 =	simm.s32 @!p0 $0x0  }
0x12: {  	s1 =	sld [smem:$0x3F99];
	s0 =	simm.s32 @p0 $0x1  }
0x13: {  	[smem:$0x3FB4] =	sst s0;
	s0 =	simm.s32 @!p1 $0x0  }
0x14: {  	s2 =	sld [smem:$0x3F98];
	s0 =	simm.s32 @p1 $0x1  }
0x15: {  	[smem:$0x3FB5] =	sst s0;
	s0 =	simm.s32 @!p2 $0x0  }
0x16: {  	s3 =	sld [smem:$0x3FDB];
	s0 =	simm.s32 @p2 $0x1  }
0x17: {  	s4 =	simm.s32 $0x1BF5;
	[smem:$0x3FB7] =	sst s0  }
0x18: {  	s0 =	sld [smem:$0x3F9A];
	_ =	swait.ge [sflag:s4], $0x0  }
0x19: {  	s7 =	sld [smem:$0x3F9B]  }
0x1a: {  	s8 =	sadd.s32 $0xFFFFE003, lr  }
0x1b: {  	s9 =	sadd.s32 $0xFFFFFEF7, lr;
	s5 =	simm.s32 $0xFFFFFFFF;
	p2 =	slt.u32 s8, $0xFFFFF086  }
0x1c: {  	p1 =	slt.u32 s9, $0xF7A;
	s5 =	simm.s32 @!p2 $0x0  }
0x1d: {  	s5 =	simm.s32 @p1 $0x1;
	p0 =	seq.s32 s7, s2  }
0x1e: {  	s7 =	smul.u32 @!p0 $0xF7A, s2;
	p2 =	seq.s32 @!p0 s5, $0x0  }
0x1f: {  	s9 =	smul.u32 $0xF7A, s1;
	s8 =	simm.s32 @!p0 $0x1BF5;
	p2 =	por !p2, p0  }
0x20: {  	[sflag:s8] =	ssyncset.s32 @!p0 $0xFFFFF086;
	s6 =	sadd.s32 @!p0 s3, s7;
	s7 =	simm.s32 @!p0 $0x108  }
0x21: {  	s3 =	sadd.s32 s3, s9;
	s6 =	sadd.s32 @!p0 $0x88, s6;
	s7 =	simm.s32 @p2 $0x1082  }
0x22: {  	[simem:s7], [sflag:s8] =	dma.local @!p0 [hbm:s6], $0xF7A  }
0x23: {  	s9 =	sor.u32 $0xD0000000, s2;
	s6 =	simm.s32 $0x108;
	_ =	swait.ge @!p0 [sflag:s8], $0x0  }
0x24: {  	s3 =	sadd.s32 $0x88, s3;
	s6 =	simm.s32 @!p1 $0x1082;
	[sflag:s4] =	ssyncset.s32 $0xFFFFF086  }
0x25: {  	[simem:s6], [sflag:s4] =	dma.local [hbm:s3], $0xF7A  }
0x26: {  	[smem:$0x3F9B] =	sst s1;
	(tag) =	ssettag s2;
	_ =	strace s9  }
0x27: {  	s1 =	sld [smem:$0x3FAB]  }
0x28: {  	s2 =	sld [smem:$0x3FAC]  }
0x29: {  	s4 =	sld [smem:$0x3FAE]  }
0x2a: {  	p0 =	seq.s32 s5, $0x0;
	s5 =	sld [smem:$0x3FAF]  }
0x2b: {  	s6 =	sld [smem:$0x3FB0]  }
0x2c: {  	s7 =	sld [smem:$0x3FB1]  }
0x2d: {  	s3 =	simm.s32 $0x108;
	s8 =	sld [smem:$0x3FB2]  }
0x2e: {  	s3 =	simm.s32 @!p0 $0x1082;
	s9 =	sld [smem:$0x3FB3]  }
0x2f: {  	lr =	sadd.s32 s0, s3;
	s0 =	sld [smem:$0x3FAA]  }
0x30: {  	s3 =	sld [smem:$0x3FAD]  }
0x31: {  	[smem:$0x3FB6] =	sst s10  }
0x32: {  	s10 =	sld [smem:$0x3FB4];
	_ =	sdelay $0x3  }
0x33: {  	p0 =	seq.s32 s10, $0x1;
	s10 =	sld [smem:$0x3FB6];
	_ =	sdelay $0x3  }
0x34: {  	[smem:$0x3FB6] =	sst s10  }
0x35: {  	s10 =	sld [smem:$0x3FB5];
	_ =	sdelay $0x3  }
0x36: {  	p1 =	seq.s32 s10, $0x1;
	s10 =	sld [smem:$0x3FB6];
	_ =	sdelay $0x3  }
0x37: {  	[smem:$0x3FB6] =	sst s10  }
0x38: {  	s10 =	sld [smem:$0x3FB7]  }
0x39: {  	_ = 	snop;
	(pc) =	sbr.ind lr, $3  }
0x3a: {  	_ = 	snop  }
0x3b: {  	_ = 	snop  }
0x3c: {  	p2 =	seq.s32 s10, $0x1;
	s10 =	sld [smem:$0x3FB6]  }
0x3d: {  	_ =	shalt  }
0x3e: {  	_ =	shalt  }
0x3f: {  	_ =	shalt  }
0x40: {  	_ =	shalt  }
0x41: {  	_ =	shalt  }
0x42: {  	_ =	shalt  }
0x43: {  	_ =	shalt  }
0x44: {  	_ =	shalt  }
0x45: {  	_ =	shalt  }
0x46: {  	_ =	shalt  }
0x47: {  	_ =	shalt  }
0x48: {  	_ =	shalt  }
0x49: {  	_ =	shalt  }
0x4a: {  	_ =	shalt  }
0x4b: {  	_ =	shalt  }
0x4c: {  	_ =	shalt  }
0x4d: {  	_ =	shalt  }
0x4e: {  	_ =	shalt  }
0x4f: {  	_ =	shalt  }
0x50: {  	_ =	shalt  }
0x51: {  	_ =	shalt  }
0x52: {  	_ =	shalt  }
0x53: {  	_ =	shalt  }
0x54: {  	_ =	shalt  }
0x55: {  	_ =	shalt  }
0x56: {  	_ =	shalt  }
0x57: {  	_ =	shalt  }
0x58: {  	_ =	shalt  }
0x59: {  	_ =	shalt  }
0x5a: {  	_ =	shalt  }
0x5b: {  	_ =	shalt  }
0x5c: {  	_ =	shalt  }
0x5d: {  	_ =	shalt  }
0x5e: {  	_ =	shalt  }
0x5f: {  	_ =	shalt  }
0x60: {  	_ =	shalt  }
0x61: {  	_ =	shalt  }
0x62: {  	_ =	shalt  }
0x63: {  	_ =	shalt  }
0x64: {  	_ =	shalt  }
0x65: {  	_ =	shalt  }
0x66: {  	_ =	shalt  }
0x67: {  	_ =	shalt  }
0x68: {  	_ =	shalt  }
0x69: {  	_ =	shalt  }
0x6a: {  	_ =	shalt  }
0x6b: {  	_ =	shalt  }
0x6c: {  	_ =	shalt  }
0x6d: {  	_ =	shalt  }
0x6e: {  	_ =	shalt  }
0x6f: {  	_ =	shalt  }
0x70: {  	_ =	shalt  }
0x71: {  	_ =	shalt  }
0x72: {  	_ =	shalt  }
0x73: {  	_ =	shalt  }
0x74: {  	_ =	shalt  }
0x75: {  	_ =	shalt  }
0x76: {  	_ =	shalt  }
0x77: {  	_ =	shalt  }
0x78: {  	_ =	shalt  }
0x79: {  	_ =	shalt  }
0x7a: {  	_ =	shalt  }
0x7b: {  	_ =	shalt  }
0x7c: {  	_ =	shalt  }
0x7d: {  	_ =	shalt  }
0x7e: {  	_ =	shalt  }
0x7f: {  	_ =	shalt  }
0x80: {  	_ =	shalt  }
0x81: {  	_ =	shalt  }
0x82: {  	_ =	shalt  }
0x83: {  	_ =	shalt  }
0x84: {  	_ =	shalt  }
0x85: {  	_ =	shalt  }
0x86: {  	_ =	shalt  }
0x87: {  	_ =	shalt  }
.Lfunc_end0:
.L_simem_size_0:
called_computation.2_lowered:
.L_overlay_start_0:
0x88: {  	s2 =	sld [smem:$0x3FD9]  }
0x89: {  	s3 =	sld [smem:$0x3FFE];
	_ =	sdelay $0x1  }
0x8a: {  	s1 =	srdreg.scid  }
0x8b: {  	s0 =	sand.u32 $0x1, s1  }
0x8c: {  	s17 =	sshll.u32 s0, $0xA;
	s2 =	sadd.s32 s3, s2  }
0x8d: {  	s2 =	sadd.s32 s2, s17  }
0x8e: {  	[smem:$0x3FC2] =	sst s2  }
0x8f: {  	_ = 	snop  }
0x90: {  	s2 =	sld [smem:$0x3FD0];
	(tm) =	ssettm $0x1  }
0x91: {  	s18 =	sld [smem:$0x3FFB];
	_ =	sdelay $0x3  }
0x92: {  	_ =	strace s18  }
0x93: {  	s3 =	sld [smem:$0x3FFC];
	_ =	sdelay $0x3  }
0x94: {  	_ =	strace s3  }
0x95: {  	s3 =	sld [smem:$0x3FFD];
	_ =	sdelay $0x3  }
0x96: {  	_ =	strace s3  }
0x97: {  	_ =	strace $0x8FFFFFFF  }
0x98: {  	s19 =	sld [smem:$0x3FDB];
	_ =	sdelay $0x1  }
0x99: {  	s4 =	simm.s32 $_scs_section_size  }
0x9a: {  	s5 =	simm.s32 $_size__tile_overlayer_lowered;
	s6 =	simm.s32 $_tile_overlayer_lowered  }
0x9b: {  	s22 =	simm.s32 $0x1BFF;
	s21 =	sshll.u32 s6, $0x1;
	s3 =	sadd.s32 s4, s19  }
0x9c: {  	s7 =	simm.s32 $0x0;
	s20 =	sshll.u32 s5, $0x1;
	s5 =	sadd.s32 s21, s3  }
0x9d: {  	[timem:s7], [sflag:s22] =	dma.local [hbm:s5], s20  }
0x9e: {  	_ =	swait.ge [sflag:s22], s20  }
0x9f: {  	s4 =	ssub.s32 $0x0, s20;
	[sflag:s22] =	ssyncset.done $0x0  }
0xa0: {  	[sflag:s22] =	ssyncadd.s32 s4;
	_ =	sdelay $0x1  }
0xa1: {  	s23 =	simm.s32 $0x1B8B  }
0xa2: {  	_ =	swait.ge [sflag:s23], $0x1  }
0xa3: {  	[sflag:s23] =	ssyncset.done $0x0  }
0xa4: {  	s25 =	simm.s32 $0x1B8E;
	s24 =	sld [smem:$0x3FFE];
	[sflag:s23] =	ssyncadd.s32 $0xFFFFFFFF  }
0xa5: {  	s26 =	simm.s32 $execute0_lowered;
	[smem:$0x3FD2] =	sst s25  }
0xa6: {  	s5 =	sshll.u32 s26, $0x1;
	_ =	strace $0x8000004C;
	[dreg:$0x1] =	wrdreg $0xFFFFFFFF  }
0xa7: {  	s28 =	simm.s32 $_size_execute0_lowered;
	s3 =	sadd.s32 s3, s5;
	[dreg:$0x0] =	wrdreg $0x0  }
0xa8: {  	s5 =	sshll.u32 s28, $0x1;
	[dreg:$0x2] =	wrdreg s3  }
0xa9: {  	[dreg:$0x3] =	wrdreg s5  }
0xaa: {  	[dreg:$0x4] =	wrdreg $0xC0  }
0xab: {  	_ =	task [dreg:s7], $0x5FFFF  }
0xac: {  	[dreg:$0x1] =	wrdreg $0xFFFFFFFF  }
0xad: {  	[dreg:$0x0] =	wrdreg $0x60  }
0xae: {  	[dreg:$0x2] =	wrdreg s2  }
0xaf: {  	[dreg:$0x3] =	wrdreg s24  }
0xb0: {  	[dreg:$0x4] =	wrdreg $0xB0000  }
0xb1: {  	[dreg:$0x5] =	wrdreg $0x9  }
0xb2: {  	_ =	task.clear_ibuf [dreg:s7], $0x6FFFF;
	_ =	strace $0x9000004C  }
0xb3: {  	s29 =	simm.s32 $0x9;
	_ =	strace $0x8000004E  }
0xb4: {  	_ =	swait.ge [sflag:s29], $0x1  }
0xb5: {  	[sflag:s29] =	ssyncadd.s32 $0xFFFFFFFF  }
0xb6: {  	_ =	strace $0x9000004E  }
0xb7: {  	_ =	sfence  }
0xb8: {  	s30 =	sld [smem:$0x0];
	_ =	sdelay $0x2  }
0xb9: {  	s31 =	sshll.u32 s1, $0xD;
	s1 =	sshrl.u32 s1, $0x2  }
0xba: {  	s3 =	sand.u32 $0x4000, s31;
	s1 =	sadd.s32 s1, s30  }
0xbb: {  	s0 =	sor.u32 s3, s0;
	s1 =	sshll.u32 s1, $0x11  }
0xbc: {  	s0 =	sor.u32 s1, s0  }
0xbd: {  	s0 =	sadd.s32 $0x8F2B, s0  }
0xbe: {  	[sflag:s0] =	ssyncadd.remote.s32 $0x1  }
0xbf: {  	_ =	sfence.sel $0xFFFF  }
0xc0: {  	[dreg:$0x0] =	wrdreg $0xFFFFFFFF;
	(pc) =	sbr.abs _section_cstart, $3  }
0xc1: {  	[dreg:$0x1] =	wrdreg $0xFFFFFFFF  }
0xc2: {  	_ =	task.clear_ibuf [dreg:s7], $0x2FFFF;
	_ =	strace $0x9FFFFFFF  }
0xc3: {  	(tm) =	ssettm $0x7FFFFFFF  }
tec
execute0_lowered:
.L_overlay_start_1:
0x0: {  	(tag) =	ssettag $0x1  }
0x1: {  	s11 =	rddreg [dreg:$0x0]  }
0x2: {  	s5 =	rddreg [dreg:$0x1]  }
0x3: {  	s2 =	rddreg [dreg:$0x2]  }
0x4: {  	s0 =	srdreg.scid;
	s1 =	rddreg [dreg:$0x3];
	s3 =	simm.s32 $0x0  }
0x5: {  	s15 =	simm.s32 $0x5;
	s16 =	simm.s32 $0x9000;
	s17 =	simm.s32 $0x80  }
0x6: {  	s18 =	simm.s32 $0x5000;
	s19 =	simm.s32 $0x7000;
	s6 =	sand.u32 $0x1, s0  }
0x7: {  	s20 =	simm.s32 $0x1;
	s0 =	stileid.u32;
	s4 =	smul.u32 $0x28000, s6  }
0x8: {  	s21 =	simm.s32 $0x2;
	s22 =	simm.s32 $0x3;
	s7 =	smul.u32 $0x2800, s0  }
0x9: {  	s23 =	simm.s32 $0x4;
	s24 =	simm.s32 $0x4F00;
	s31 =	smul.u32 $0xA000, s0  }
0xa: {  	s25 =	simm.s32 $0x4F80;
	[smem:$0x7FF] =	sst s3;
	s8 =	smul.u32 $0xA0000, s6  }
0xb: {  	_ =	strace $0x8000004D;
	s10 =	smul.u32 $0x28000, s0;
	s6 =	ssub.s32 $0x2, s6  }
0xc: {  	s13 =	sshrl.u32 s6, $0x1;
	s4 =	sadd.s32 s7, s4;
	s8 =	sadd.s32 s31, s8  }
0xd: {  	s10 =	sshrl.u32 s10, $0x2;
	s13 =	ssub.s32 s6, s13;
	s6 =	sadd.s32 s31, s2  }
0xe: {  	s12 =	sshrl.u32 s4, $0x3;
	s4 =	sadd.s32 $0xBC00, s5;
	s8 =	sshrl.u32 s8, $0x3  }
0xf: {  	s10 =	sadd.s32 s10, s2;
	s13 =	smax.u32 s13, $0x1;
	s9 =	sadd.s32 s12, s5  }
0x10: {  	s14 =	sadd.s32 s8, s5;
	s7 =	sadd.s32 $0x2000, s10;
	s8 =	sadd.s32 $0x4000, s10  }
0x11: {  	s11 =	sadd.s32 s11, s12;
	s5 =	sadd.s32 $0x1C00, s9;
	s9 =	sadd.s32 $0x6000, s10  }
0x12: {  	v0 =	vimm.f32 $0.0e+00;
	s10 =	sadd.s32 $0x8000, s10;
	s12 =	sadd.s32 $0x1FC00, s14;
	s14 =	simm.s32 $0x2800  }
.LBB2_1:
0x13: {  	s28 =	simm.s32 $0x100;
	s26 =	simm.s32 $0x0  }
.LBB2_2:
0x14: {  	p0 =	sne.s32 s28, $0x7F00;
	[tilespmem:s26+$0x9030] =	vst v0;
	s29 =	smov.u32 s28;
	s28 =	sadd.s32 $0x100, s28  }
.Ltmp0:
0x15: {  	[tilespmem:s26+$0x9020] =	vst v0;
	(pc) =	sbr.rel @p0 .LBB2_2-.Ltmp0, $3  }
0x16: {  	[tilespmem:s26+$0x9000] =	vst v0  }
0x17: {  	[tilespmem:s26+$0x9010] =	vst v0;
	_ =	sdelay $0x1  }
0x18: {  	s26 =	sshra.s32 s29, $0x2  }
0x19: {  	[tilespmem:s26+$0x9030] =	vst v0  }
0x1a: {  	[tilespmem:s26+$0x9020] =	vst v0  }
0x1b: {  	[tilespmem:s26+$0x9000] =	vst v0  }
0x1c: {  	[tilespmem:s26+$0x9010] =	vst v0;
	s31 =	simm.s32 $0x0  }
0x1d: {  	[tilespmem:s14], [sflag:$0x5] =	stream.linear.gather [hbm4b:s5+s31], $0x2800, $0x38;
	[tilespmem:$0x15000] =	vst v63  }
0x1e: {  	_ =	swait.ge [sflag:s15], $0x2800  }
0x1f: {  	[sflag:s15] =	ssyncset.done $0x0  }
0x20: {  	[sflag:s15] =	ssyncadd.s32 $0xFFFFD800  }
0x21: {  	[spmem:s6] =	stream.linear.scatter [tilespmem:s16], [sflag:$0x5], $0x2000, $0x38;
	[tilespmem:$0x15000] =	vst v63  }
0x22: {  	_ =	swait.ge [sflag:s15], $0x2000  }
0x23: {  	[sflag:s15] =	ssyncset.done $0x0  }
0x24: {  	[sflag:s15] =	ssyncadd.s32 $0xFFFFE000  }
0x25: {  	[spmem:s7] =	stream.linear.scatter [tilespmem:s16], [sflag:$0x5], $0x2000, $0x38;
	[tilespmem:$0x15000] =	vst v63  }
0x26: {  	_ =	swait.ge [sflag:s15], $0x2000  }
0x27: {  	[sflag:s15] =	ssyncset.done $0x0  }
0x28: {  	[sflag:s15] =	ssyncadd.s32 $0xFFFFE000  }
0x29: {  	[spmem:s8] =	stream.linear.scatter [tilespmem:s16], [sflag:$0x5], $0x2000, $0x38;
	[tilespmem:$0x15000] =	vst v63  }
0x2a: {  	_ =	swait.ge [sflag:s15], $0x2000  }
0x2b: {  	[sflag:s15] =	ssyncset.done $0x0  }
0x2c: {  	[sflag:s15] =	ssyncadd.s32 $0xFFFFE000  }
0x2d: {  	[spmem:s9] =	stream.linear.scatter [tilespmem:s16], [sflag:$0x5], $0x2000, $0x38;
	[tilespmem:$0x15000] =	vst v63  }
0x2e: {  	_ =	swait.ge [sflag:s15], $0x2000  }
0x2f: {  	[sflag:s15] =	ssyncset.done $0x0  }
0x30: {  	[sflag:s15] =	ssyncadd.s32 $0xFFFFE000  }
0x31: {  	[spmem:s10] =	stream.linear.scatter [tilespmem:s16], [sflag:$0x5], $0x2000, $0x38;
	[tilespmem:$0x15000] =	vst v63  }
0x32: {  	_ =	swait.ge [sflag:s15], $0x2000  }
0x33: {  	[sflag:s15] =	ssyncset.done $0x0  }
0x34: {  	[sflag:s15] =	ssyncadd.s32 $0xFFFFE000  }
0x35: {  	[tilespmem:s31], [sflag:$0x5] =	stream.linear.gather [hbm4b:s11+s31], $0x2800, $0x38;
	[tilespmem:$0x15000] =	vst v63  }
0x36: {  	_ =	swait.ge [sflag:s15], $0x2800  }
0x37: {  	[sflag:s15] =	ssyncset.done $0x0  }
0x38: {  	[sflag:s15] =	ssyncadd.s32 $0xFFFFD800  }
0x39: {  	[bflag:$0x0] =	sbarrier.arrive $0xFFFF  }
0x3a: {  	[tilespmem:s18], [sflag:$0x1] =	stream.indirect.gather [hbm4b:s4+s17], $0x40, s31, s17, $0xb8;
	[tilespmem:$0x15000] =	vst v63  }
0x3b: {  	_ = 	snop  }
0x3c: {  	[tilespmem:s19], [sflag:$0x2] =	stream.indirect.gather [hbm4b:s4+s17], $0x40, s17, s17, $0xb8;
	[tilespmem:$0x15000] =	vst v63  }
0x3d: {  	_ =	swait.ge [sflag:s20], $0x2000  }
0x3e: {  	[sflag:s20] =	ssyncset.done $0x0  }
0x3f: {  	s29 =	simm.s32 $0x2800;
	[sflag:s20] =	ssyncadd.s32 $0xFFFFE000  }
0x40: {  	[spmem:s2] =	stream.indirect.scatter.add.f32 [tilespmem:s18], [sflag:$0x3], $0x40, s29, s17, $0xb8;
	[tilespmem:$0x15000] =	vst v63  }
0x41: {  	_ =	swait.ge [sflag:s21], $0x2000  }
0x42: {  	[sflag:s21] =	ssyncset.done $0x0  }
0x43: {  	s30 =	simm.s32 $0x2880;
	[sflag:s21] =	ssyncadd.s32 $0xFFFFE000  }
0x44: {  	[spmem:s2] =	stream.indirect.scatter.add.f32 [tilespmem:s19], [sflag:$0x4], $0x40, s30, s17, $0xb8;
	[tilespmem:$0x15000] =	vst v63  }
0x45: {  	_ =	swait.ge [sflag:s22], $0x2000  }
0x46: {  	[sflag:s22] =	ssyncset.done $0x0  }
0x47: {  	s31 =	simm.s32 $0x100;
	[sflag:s22] =	ssyncadd.s32 $0xFFFFE000  }
0x48: {  	[tilespmem:s18], [sflag:$0x1] =	stream.indirect.gather [hbm4b:s4+s17], $0x40, s31, s17, $0xb8;
	[tilespmem:$0x15000] =	vst v63  }
0x49: {  	_ =	swait.ge [sflag:s23], $0x2000  }
0x4a: {  	[sflag:s23] =	ssyncset.done $0x0  }
0x4b: {  	s26 =	simm.s32 $0x400;
	s28 =	simm.s32 $0x180;
	[sflag:s23] =	ssyncadd.s32 $0xFFFFE000  }
.LBB2_4:
0x4c: {  	[tilespmem:s19], [sflag:$0x2] =	stream.indirect.gather [hbm4b:s4+s17], $0x40, s28, s17, $0xb8;
	[tilespmem:$0x15000] =	vst v63  }
0x4d: {  	s28 =	smov.u32 s26  }
0x4e: {  	p0 =	sne.s32 s26, $0x9800;
	s26 =	sadd.s32 $0x400, s26;
	_ =	swait.ge [sflag:s20], $0x2000  }
0x4f: {  	s28 =	sshra.s32 s28, $0x2;
	[sflag:s20] =	ssyncset.done $0x0  }
0x50: {  	s29 =	sadd.s32 $0x2800, s28;
	[sflag:s20] =	ssyncadd.s32 $0xFFFFE000  }
0x51: {  	[spmem:s2] =	stream.indirect.scatter.add.f32 [tilespmem:s18], [sflag:$0x3], $0x40, s29, s17, $0xb8;
	[tilespmem:$0x15000] =	vst v63  }
0x52: {  	_ =	swait.ge [sflag:s21], $0x2000  }
0x53: {  	[sflag:s21] =	ssyncset.done $0x0  }
0x54: {  	s29 =	sadd.s32 $0x2880, s28;
	[sflag:s21] =	ssyncadd.s32 $0xFFFFE000  }
0x55: {  	[spmem:s2] =	stream.indirect.scatter.add.f32 [tilespmem:s19], [sflag:$0x4], $0x40, s29, s17, $0xb8;
	[tilespmem:$0x15000] =	vst v63  }
0x56: {  	_ =	swait.ge [sflag:s22], $0x2000  }
0x57: {  	[sflag:s22] =	ssyncset.done $0x0  }
.Ltmp1:
0x58: {  	s29 =	sadd.s32 $0x100, s28;
	[sflag:s22] =	ssyncadd.s32 $0xFFFFE000;
	(pc) =	sbr.rel @p0 .LBB2_4-.Ltmp1, $4  }
0x59: {  	[tilespmem:s18], [sflag:$0x1] =	stream.indirect.gather [hbm4b:s4+s17], $0x40, s29, s17, $0xb8;
	[tilespmem:$0x15000] =	vst v63  }
0x5a: {  	_ =	swait.ge [sflag:s23], $0x2000  }
0x5b: {  	[sflag:s23] =	ssyncset.done $0x0  }
0x5c: {  	s28 =	sadd.s32 $0x180, s28;
	[sflag:s23] =	ssyncadd.s32 $0xFFFFE000  }
0x5d: {  	[tilespmem:s19], [sflag:$0x2] =	stream.indirect.gather [hbm4b:s4+s17], $0x40, s28, s17, $0xb8;
	[tilespmem:$0x15000] =	vst v63  }
0x5e: {  	_ =	swait.ge [sflag:s20], $0x2000  }
0x5f: {  	[sflag:s20] =	ssyncset.done $0x0  }
0x60: {  	[sflag:s20] =	ssyncadd.s32 $0xFFFFE000  }
0x61: {  	[spmem:s2] =	stream.indirect.scatter.add.f32 [tilespmem:s18], [sflag:$0x3], $0x40, s24, s17, $0xb8;
	[tilespmem:$0x15000] =	vst v63  }
0x62: {  	_ =	swait.ge [sflag:s21], $0x2000  }
0x63: {  	[sflag:s21] =	ssyncset.done $0x0  }
0x64: {  	[sflag:s21] =	ssyncadd.s32 $0xFFFFE000  }
0x65: {  	[spmem:s2] =	stream.indirect.scatter.add.f32 [tilespmem:s19], [sflag:$0x4], $0x40, s25, s17, $0xb8;
	[tilespmem:$0x15000] =	vst v63  }
0x66: {  	_ =	swait.ge [sflag:s22], $0x2000  }
0x67: {  	[sflag:s22] =	ssyncset.done $0x0  }
0x68: {  	[sflag:s22] =	ssyncadd.s32 $0xFFFFE000  }
0x69: {  	_ =	swait.ge [sflag:s23], $0x2000  }
0x6a: {  	s26 =	sshll.u32 s0, $0x6;
	s3 =	sadd.s32 $0x1, s3;
	[sflag:s23] =	ssyncset.done $0x0  }
0x6b: {  	s31 =	sshrl.u32 s6, $0x3;
	p0 =	sne.s32 s3, s13;
	[sflag:s23] =	ssyncadd.s32 $0xFFFFE000  }
.Ltmp2:
0x6c: {  	s26 =	sor.u32 $0x1C05, s26;
	[bflag:$0x0] =	sbarrier.arrive $0xFFFF;
	(pc) =	sbr.rel @p0 .LBB2_1-.Ltmp2, $4  }
0x6d: {  	[hbm:s12], [sflag:s26] =	dma.local [spmem:s31], $0x1400  }
0x6e: {  	_ =	swait.ge [sflag:s15], $0x1400  }
0x6f: {  	[sflag:s15] =	ssyncset.done $0x0  }
0x70: {  	[sflag:s15] =	ssyncadd.s32 $0xFFFFEC00  }
0x71: {  	_ =	sfence.sel $0x180000  }
0x72: {  	[bflag:$0x0] =	sbarrier.arrive $0xFFFF  }
0x73: {  	p0 =	sne.s32 s0, $0x0;
	_ =	strace $0x9000004D  }
0x74: {  	s0 =	sadd.s32 @!p0 $0x100000, s1;
	[bflag:$0x2] =	sbarrier.arrive $0xFFFF  }
0x75: {  	[sflag:s0] =	ssyncadd.tile.s32 @!p0 $0x1;
	_ =	shalt  }
.Lfunc_end2:
_tile_overlayer_lowered:
.L_overlay_start_2:
0x76: {  	(tag) =	ssettag $0x2  }
0x77: {  	s0 =	rddreg [dreg:$0x0];
	s2 =	stileid.u32  }
0x78: {  	s1 =	rddreg [dreg:$0x1];
	p0 =	sne.s32 s2, $0x0  }
0x79: {  	s3 =	rddreg [dreg:$0x2];
	[bflag:$0x3] =	sbarrier.arrive $0xFFFF;
	s2 =	simm.s32 @!p0 $0x1C05  }
0x7a: {  	[timem:s3], [sflag:s2] =	dma.local @!p0 [hbm:s0], s1  }
0x7b: {  	s0 =	simm.s32 @!p0 $0x5  }
0x7c: {  	_ =	swait.ge @!p0 [sflag:s0], s1  }
0x7d: {  	s1 =	ssub.s32 @!p0 $0x0, s1;
	[sflag:s0] =	ssyncset.done @!p0 $0x0  }
0x7e: {  	[sflag:s0] =	ssyncadd.s32 @!p0 s1  }
0x7f: {  	[bflag:$0x3] =	sbarrier.arrive $0xFFFF  }
0x80: {  	_ =	shalt  }

// kernel: kernel.9.cloned.1.call-start
scs
__scs_entry_jumppad:
0x0: {  	(pc) =	sbr.rel $0x88, $3  }
0x1: {  	(tag) =	ssettag $0x0;
	lr =	simm.s32 $0x1  }
0x2: {  	[smem:$0x3F9B] =	sst lr;
	_ =	strace $0xD0000000  }
0x3: {  	_ = 	snop  }
0x4: {  	_ = 	snop  }
0x5: {  	_ = 	snop  }
0x6: {  	_ = 	snop  }
0x7: {  	_ = 	snop  }
__scs_overlays_trampoline_lowered:
0x8: {  	[smem:$0x3FAA] =	sst s0  }
0x9: {  	[smem:$0x3FAB] =	sst s1  }
0xa: {  	[smem:$0x3FAC] =	sst s2  }
0xb: {  	[smem:$0x3FAD] =	sst s3  }
0xc: {  	[smem:$0x3FAE] =	sst s4  }
0xd: {  	[smem:$0x3FAF] =	sst s5  }
0xe: {  	[smem:$0x3FB0] =	sst s6  }
0xf: {  	[smem:$0x3FB1] =	sst s7  }
0x10: {  	[smem:$0x3FB2] =	sst s8  }
0x11: {  	[smem:$0x3FB3] =	sst s9;
	s0 =	simm.s32 @!p0 $0x0  }
0x12: {  	s1 =	sld [smem:$0x3F99];
	s0 =	simm.s32 @p0 $0x1  }
0x13: {  	[smem:$0x3FB4] =	sst s0;
	s0 =	simm.s32 @!p1 $0x0  }
0x14: {  	s2 =	sld [smem:$0x3F98];
	s0 =	simm.s32 @p1 $0x1  }
0x15: {  	[smem:$0x3FB5] =	sst s0;
	s0 =	simm.s32 @!p2 $0x0  }
0x16: {  	s3 =	sld [smem:$0x3FDB];
	s0 =	simm.s32 @p2 $0x1  }
0x17: {  	s4 =	simm.s32 $0x1BF5;
	[smem:$0x3FB7] =	sst s0  }
0x18: {  	s0 =	sld [smem:$0x3F9A];
	_ =	swait.ge [sflag:s4], $0x0  }
0x19: {  	s7 =	sld [smem:$0x3F9B]  }
0x1a: {  	s8 =	sadd.s32 $0xFFFFE003, lr  }
0x1b: {  	s9 =	sadd.s32 $0xFFFFFEF7, lr;
	s5 =	simm.s32 $0xFFFFFFFF;
	p2 =	slt.u32 s8, $0xFFFFF086  }
0x1c: {  	p1 =	slt.u32 s9, $0xF7A;
	s5 =	simm.s32 @!p2 $0x0  }
0x1d: {  	s5 =	simm.s32 @p1 $0x1;
	p0 =	seq.s32 s7, s2  }
0x1e: {  	s7 =	smul.u32 @!p0 $0xF7A, s2;
	p2 =	seq.s32 @!p0 s5, $0x0  }
0x1f: {  	s9 =	smul.u32 $0xF7A, s1;
	s8 =	simm.s32 @!p0 $0x1BF5;
	p2 =	por !p2, p0  }
0x20: {  	[sflag:s8] =	ssyncset.s32 @!p0 $0xFFFFF086;
	s6 =	sadd.s32 @!p0 s3, s7;
	s7 =	simm.s32 @!p0 $0x108  }
0x21: {  	s3 =	sadd.s32 s3, s9;
	s6 =	sadd.s32 @!p0 $0x88, s6;
	s7 =	simm.s32 @p2 $0x1082  }
0x22: {  	[simem:s7], [sflag:s8] =	dma.local @!p0 [hbm:s6], $0xF7A  }
0x23: {  	s9 =	sor.u32 $0xD0000000, s2;
	s6 =	simm.s32 $0x108;
	_ =	swait.ge @!p0 [sflag:s8], $0x0  }
0x24: {  	s3 =	sadd.s32 $0x88, s3;
	s6 =	simm.s32 @!p1 $0x1082;
	[sflag:s4] =	ssyncset.s32 $0xFFFFF086  }
0x25: {  	[simem:s6], [sflag:s4] =	dma.local [hbm:s3], $0xF7A  }
0x26: {  	[smem:$0x3F9B] =	sst s1;
	(tag) =	ssettag s2;
	_ =	strace s9  }
0x27: {  	s1 =	sld [smem:$0x3FAB]  }
0x28: {  	s2 =	sld [smem:$0x3FAC]  }
0x29: {  	s4 =	sld [smem:$0x3FAE]  }
0x2a: {  	p0 =	seq.s32 s5, $0x0;
	s5 =	sld [smem:$0x3FAF]  }
0x2b: {  	s6 =	sld [smem:$0x3FB0]  }
0x2c: {  	s7 =	sld [smem:$0x3FB1]  }
0x2d: {  	s3 =	simm.s32 $0x108;
	s8 =	sld [smem:$0x3FB2]  }
0x2e: {  	s3 =	simm.s32 @!p0 $0x1082;
	s9 =	sld [smem:$0x3FB3]  }
0x2f: {  	lr =	sadd.s32 s0, s3;
	s0 =	sld [smem:$0x3FAA]  }
0x30: {  	s3 =	sld [smem:$0x3FAD]  }
0x31: {  	[smem:$0x3FB6] =	sst s10  }
0x32: {  	s10 =	sld [smem:$0x3FB4];
	_ =	sdelay $0x3  }
0x33: {  	p0 =	seq.s32 s10, $0x1;
	s10 =	sld [smem:$0x3FB6];
	_ =	sdelay $0x3  }
0x34: {  	[smem:$0x3FB6] =	sst s10  }
0x35: {  	s10 =	sld [smem:$0x3FB5];
	_ =	sdelay $0x3  }
0x36: {  	p1 =	seq.s32 s10, $0x1;
	s10 =	sld [smem:$0x3FB6];
	_ =	sdelay $0x3  }
0x37: {  	[smem:$0x3FB6] =	sst s10  }
0x38: {  	s10 =	sld [smem:$0x3FB7]  }
0x39: {  	_ = 	snop;
	(pc) =	sbr.ind lr, $3  }
0x3a: {  	_ = 	snop  }
0x3b: {  	_ = 	snop  }
0x3c: {  	p2 =	seq.s32 s10, $0x1;
	s10 =	sld [smem:$0x3FB6]  }
0x3d: {  	_ =	shalt  }
0x3e: {  	_ =	shalt  }
0x3f: {  	_ =	shalt  }
0x40: {  	_ =	shalt  }
0x41: {  	_ =	shalt  }
0x42: {  	_ =	shalt  }
0x43: {  	_ =	shalt  }
0x44: {  	_ =	shalt  }
0x45: {  	_ =	shalt  }
0x46: {  	_ =	shalt  }
0x47: {  	_ =	shalt  }
0x48: {  	_ =	shalt  }
0x49: {  	_ =	shalt  }
0x4a: {  	_ =	shalt  }
0x4b: {  	_ =	shalt  }
0x4c: {  	_ =	shalt  }
0x4d: {  	_ =	shalt  }
0x4e: {  	_ =	shalt  }
0x4f: {  	_ =	shalt  }
0x50: {  	_ =	shalt  }
0x51: {  	_ =	shalt  }
0x52: {  	_ =	shalt  }
0x53: {  	_ =	shalt  }
0x54: {  	_ =	shalt  }
0x55: {  	_ =	shalt  }
0x56: {  	_ =	shalt  }
0x57: {  	_ =	shalt  }
0x58: {  	_ =	shalt  }
0x59: {  	_ =	shalt  }
0x5a: {  	_ =	shalt  }
0x5b: {  	_ =	shalt  }
0x5c: {  	_ =	shalt  }
0x5d: {  	_ =	shalt  }
0x5e: {  	_ =	shalt  }
0x5f: {  	_ =	shalt  }
0x60: {  	_ =	shalt  }
0x61: {  	_ =	shalt  }
0x62: {  	_ =	shalt  }
0x63: {  	_ =	shalt  }
0x64: {  	_ =	shalt  }
0x65: {  	_ =	shalt  }
0x66: {  	_ =	shalt  }
0x67: {  	_ =	shalt  }
0x68: {  	_ =	shalt  }
0x69: {  	_ =	shalt  }
0x6a: {  	_ =	shalt  }
0x6b: {  	_ =	shalt  }
0x6c: {  	_ =	shalt  }
0x6d: {  	_ =	shalt  }
0x6e: {  	_ =	shalt  }
0x6f: {  	_ =	shalt  }
0x70: {  	_ =	shalt  }
0x71: {  	_ =	shalt  }
0x72: {  	_ =	shalt  }
0x73: {  	_ =	shalt  }
0x74: {  	_ =	shalt  }
0x75: {  	_ =	shalt  }
0x76: {  	_ =	shalt  }
0x77: {  	_ =	shalt  }
0x78: {  	_ =	shalt  }
0x79: {  	_ =	shalt  }
0x7a: {  	_ =	shalt  }
0x7b: {  	_ =	shalt  }
0x7c: {  	_ =	shalt  }
0x7d: {  	_ =	shalt  }
0x7e: {  	_ =	shalt  }
0x7f: {  	_ =	shalt  }
0x80: {  	_ =	shalt  }
0x81: {  	_ =	shalt  }
0x82: {  	_ =	shalt  }
0x83: {  	_ =	shalt  }
0x84: {  	_ =	shalt  }
0x85: {  	_ =	shalt  }
0x86: {  	_ =	shalt  }
0x87: {  	_ =	shalt  }
.Lfunc_end0:
.L_simem_size_0:
called_computation_lowered:
.L_overlay_start_0:
0x88: {  	s2 =	sld [smem:$0x3FD9]  }
0x89: {  	s3 =	sld [smem:$0x3FFE];
	_ =	sdelay $0x1  }
0x8a: {  	s1 =	srdreg.scid  }
0x8b: {  	s0 =	sand.u32 $0x1, s1  }
0x8c: {  	s16 =	sshll.u32 s0, $0xA;
	s2 =	sadd.s32 s3, s2  }
0x8d: {  	s2 =	sadd.s32 s2, s16  }
0x8e: {  	[smem:$0x3FC2] =	sst s2  }
0x8f: {  	_ = 	snop  }
0x90: {  	(tm) =	ssettm $0x1  }
0x91: {  	s17 =	sld [smem:$0x3FFB];
	_ =	sdelay $0x3  }
0x92: {  	_ =	strace s17  }
0x93: {  	s2 =	sld [smem:$0x3FFC];
	_ =	sdelay $0x3  }
0x94: {  	_ =	strace s2  }
0x95: {  	s2 =	sld [smem:$0x3FFD];
	_ =	sdelay $0x3  }
0x96: {  	_ =	strace s2  }
0x97: {  	_ =	strace $0x8FFFFFFF  }
0x98: {  	s18 =	sld [smem:$0x3FDB];
	_ =	sdelay $0x1  }
0x99: {  	s19 =	simm.s32 $_scs_section_size  }
0x9a: {  	s4 =	simm.s32 $_size__tile_overlayer_lowered;
	s5 =	simm.s32 $_tile_overlayer_lowered  }
0x9b: {  	s22 =	simm.s32 $0x1BFF;
	s21 =	sshll.u32 s5, $0x1;
	s2 =	sadd.s32 s19, s18  }
0x9c: {  	s6 =	simm.s32 $0x0;
	s20 =	sshll.u32 s4, $0x1;
	s4 =	sadd.s32 s21, s2  }
0x9d: {  	[timem:s6], [sflag:s22] =	dma.local [hbm:s4], s20  }
0x9e: {  	_ =	swait.ge [sflag:s22], s20  }
0x9f: {  	s3 =	ssub.s32 $0x0, s20;
	[sflag:s22] =	ssyncset.done $0x0  }
0xa0: {  	[sflag:s22] =	ssyncadd.s32 s3;
	_ =	sdelay $0x1  }
0xa1: {  	s23 =	simm.s32 $0x1B8B  }
0xa2: {  	_ =	swait.ge [sflag:s23], $0x1  }
0xa3: {  	[sflag:s23] =	ssyncset.done $0x0  }
0xa4: {  	s25 =	simm.s32 $0x1B8E;
	s24 =	sld [smem:$0x3FFE];
	[sflag:s23] =	ssyncadd.s32 $0xFFFFFFFF  }
0xa5: {  	s26 =	simm.s32 $execute0_lowered;
	[smem:$0x3FD2] =	sst s25  }
0xa6: {  	s4 =	sshll.u32 s26, $0x1;
	_ =	strace $0x80000046;
	[dreg:$0x1] =	wrdreg $0xFFFFFFFF  }
0xa7: {  	s28 =	simm.s32 $_size_execute0_lowered;
	s2 =	sadd.s32 s2, s4;
	[dreg:$0x0] =	wrdreg $0x0  }
0xa8: {  	s4 =	sshll.u32 s28, $0x1;
	[dreg:$0x2] =	wrdreg s2  }
0xa9: {  	[dreg:$0x3] =	wrdreg s4  }
0xaa: {  	[dreg:$0x4] =	wrdreg $0xC0  }
0xab: {  	_ =	task [dreg:s6], $0x5FFFF  }
0xac: {  	[dreg:$0x1] =	wrdreg $0xFFFFFFFF  }
0xad: {  	[dreg:$0x0] =	wrdreg $0x60  }
0xae: {  	[dreg:$0x2] =	wrdreg s24  }
0xaf: {  	[dreg:$0x3] =	wrdreg $0x38000  }
0xb0: {  	[dreg:$0x4] =	wrdreg $0x9  }
0xb1: {  	_ =	task.clear_ibuf [dreg:s6], $0x5FFFF;
	_ =	strace $0x90000046  }
0xb2: {  	s29 =	simm.s32 $0x9;
	_ =	strace $0x80000048  }
0xb3: {  	_ =	swait.ge [sflag:s29], $0x1  }
0xb4: {  	[sflag:s29] =	ssyncadd.s32 $0xFFFFFFFF  }
0xb5: {  	_ =	strace $0x90000048  }
0xb6: {  	_ =	sfence  }
0xb7: {  	s30 =	sld [smem:$0x0];
	_ =	sdelay $0x2  }
0xb8: {  	s31 =	sshll.u32 s1, $0xD;
	s1 =	sshrl.u32 s1, $0x2  }
0xb9: {  	s3 =	sand.u32 $0x4000, s31;
	s1 =	sadd.s32 s1, s30  }
0xba: {  	s0 =	sor.u32 s3, s0;
	s1 =	sshll.u32 s1, $0x11  }
0xbb: {  	s0 =	sor.u32 s1, s0  }
0xbc: {  	s0 =	sadd.s32 $0x8F2B, s0  }
0xbd: {  	[sflag:s0] =	ssyncadd.remote.s32 $0x1  }
0xbe: {  	_ =	sfence.sel $0xFFFF  }
0xbf: {  	[dreg:$0x0] =	wrdreg $0xFFFFFFFF;
	(pc) =	sbr.abs _section_cstart, $3  }
0xc0: {  	[dreg:$0x1] =	wrdreg $0xFFFFFFFF  }
0xc1: {  	_ =	task.clear_ibuf [dreg:s6], $0x2FFFF;
	_ =	strace $0x9FFFFFFF  }
0xc2: {  	(tm) =	ssettm $0x7FFFFFFF  }
0xc3: {  	_ =	shalt  }
tec
execute0_lowered:
.L_overlay_start_1:
0x0: {  	(tag) =	ssettag $0x1  }
0x1: {  	s5 =	rddreg [dreg:$0x0]  }
0x2: {  	s0 =	srdreg.scid;
	s2 =	rddreg [dreg:$0x1]  }
0x3: {  	s3 =	simm.s32 $0x0;
	s4 =	sand.u32 $0x1, s0;
	s0 =	stileid.u32  }
0x4: {  	s13 =	simm.s32 $0x1;
	s14 =	simm.s32 $0x80;
	s7 =	smul.u32 $0x2800, s0  }
0x5: {  	s15 =	simm.s32 $0x2800;
	[smem:$0x7FF] =	sst s3;
	s8 =	smul.u32 $0x28000, s4  }
0x6: {  	s1 =	sshll.u32 s4, $0x4;
	s9 =	smul.u32 $0xA000, s0;
	s4 =	ssub.s32 $0x2, s4  }
0x7: {  	s16 =	sshll.u32 s0, $0x6;
	s1 =	sor.u32 s0, s1;
	s30 =	sshrl.u32 s4, $0x1  }
0x8: {  	s16 =	sor.u32 $0x1C01, s16;
	s6 =	smul.u32 $0x500, s1;
	s1 =	rddreg [dreg:$0x2]  }
0x9: {  	_ =	strace $0x80000047;
	s29 =	sadd.s32 s7, s8;
	s9 =	sshrl.u32 s9, $0x2  }
0xa: {  	s12 =	ssub.s32 s4, s30;
	s4 =	sadd.s32 s7, s2;
	s31 =	sadd.s32 s9, s2  }
0xb: {  	s17 =	sshrl.u32 s4, $0x3;
	s10 =	sadd.s32 s6, s5;
	s6 =	sshrl.u32 s29, $0x3  }
0xc: {  	s7 =	sadd.s32 $0x1800, s31;
	s8 =	sadd.s32 $0x2000, s31;
	s11 =	sadd.s32 s6, s5  }
0xd: {  	s5 =	sadd.s32 $0x800, s31;
	s6 =	sadd.s32 $0x1000, s31;
	s9 =	sadd.s32 $0x1C00, s10  }
0xe: {  	v0 =	vimm.f32 $6.250000000e-02;
	v1 =	vimm.f32 $0.0e+00;
	s10 =	sadd.s32 $0xBC00, s11;
	s11 =	smax.u32 s12, $0x1;
	s12 =	simm.s32 $0x3000  }
.LBB2_1:
0xf: {  	s18 =	simm.s32 $0x0  }
.LBB2_2:
0x10: {  	p0 =	sne.s32 s18, $0x1FC0  }
.Ltmp0:
0x11: {  	_ = 	snop;
	(pc) =	sbr.rel @p0 .LBB2_2-.Ltmp0, $3  }
0x12: {  	_ =	sdelay $0x1  }
0x13: {  	s19 =	sshra.s32 s18, $0x2  }
0x14: {  	s18 =	sadd.s32 $0x40, s18;
	[tilespmem:s19+$0x2800] =	vst v0  }
0x15: {  	s18 =	simm.s32 $0x40;
	s19 =	simm.s32 $0x0  }
.LBB2_4:
0x16: {  	p0 =	sne.s32 s18, $0x1FC0;
	[tilespmem:s19+$0x3000] =	vst v1;
	s19 =	smov.u32 s18;
	s18 =	sadd.s32 $0x40, s18  }
.Ltmp1:
0x17: {  	(pc) =	sbr.rel @p0 .LBB2_4-.Ltmp1, $2  }
0x18: {  	_ =	sdelay $0x2  }
0x19: {  	s19 =	sshra.s32 s19, $0x2  }
0x1a: {  	[tilespmem:s19+$0x3000] =	vst v1  }
0x1b: {  	[spmem:s4] =	stream.linear.scatter [tilespmem:s12], [sflag:$0x1], $0x800, $0x38;
	[tilespmem:$0x6000] =	vst v63  }
0x1c: {  	_ =	swait.ge [sflag:s13], $0x800  }
0x1d: {  	[sflag:s13] =	ssyncset.done $0x0  }
0x1e: {  	[sflag:s13] =	ssyncadd.s32 $0xFFFFF800  }
0x1f: {  	[spmem:s5] =	stream.linear.scatter [tilespmem:s12], [sflag:$0x1], $0x800, $0x38;
	[tilespmem:$0x6000] =	vst v63  }
0x20: {  	_ =	swait.ge [sflag:s13], $0x800  }
0x21: {  	[sflag:s13] =	ssyncset.done $0x0  }
0x22: {  	[sflag:s13] =	ssyncadd.s32 $0xFFFFF800  }
0x23: {  	[spmem:s6] =	stream.linear.scatter [tilespmem:s12], [sflag:$0x1], $0x800, $0x38;
	[tilespmem:$0x6000] =	vst v63  }
0x24: {  	_ =	swait.ge [sflag:s13], $0x800  }
0x25: {  	[sflag:s13] =	ssyncset.done $0x0  }
0x26: {  	[sflag:s13] =	ssyncadd.s32 $0xFFFFF800  }
0x27: {  	[spmem:s7] =	stream.linear.scatter [tilespmem:s12], [sflag:$0x1], $0x800, $0x38;
	[tilespmem:$0x6000] =	vst v63  }
0x28: {  	_ =	swait.ge [sflag:s13], $0x800  }
0x29: {  	[sflag:s13] =	ssyncset.done $0x0  }
0x2a: {  	[sflag:s13] =	ssyncadd.s32 $0xFFFFF800  }
0x2b: {  	[spmem:s8] =	stream.linear.scatter [tilespmem:s12], [sflag:$0x1], $0x800, $0x38;
	[tilespmem:$0x6000] =	vst v63  }
0x2c: {  	_ =	swait.ge [sflag:s13], $0x800  }
0x2d: {  	[sflag:s13] =	ssyncset.done $0x0  }
0x2e: {  	[sflag:s13] =	ssyncadd.s32 $0xFFFFF800  }
0x2f: {  	s18 =	simm.s32 $0x0;
	[bflag:$0x0] =	sbarrier.arrive $0xFFFF  }
0x30: {  	[tilespmem:s18], [sflag:$0x1] =	stream.linear.gather [hbm4b:s9+s18], $0x2800, $0x38;
	[tilespmem:$0x6000] =	vst v63  }
0x31: {  	_ =	swait.ge [sflag:s13], $0x2800  }
0x32: {  	[sflag:s13] =	ssyncset.done $0x0  }
0x33: {  	s31 =	simm.s32 $0x0;
	[sflag:s13] =	ssyncadd.s32 $0xFFFFD800  }
0x34: {  	[spmem:s2] =	stream.indirect.scatter.add.f32 [tilespmem:s15], [sflag:$0x1], $0x10, s31, s14, $0xb8;
	[tilespmem:$0x6000] =	vst v63  }
0x35: {  	_ =	swait.ge [sflag:s13], $0x800  }
0x36: {  	s18 =	simm.s32 $0x200;
	[sflag:s13] =	ssyncset.done $0x0  }
.LBB2_6:
0x37: {  	s19 =	sshra.s32 s18, $0x2;
	[sflag:s13] =	ssyncadd.s32 $0xFFFFF800;
	p0 =	sne.s32 s18, $0x9E00  }
0x38: {  	[spmem:s2] =	stream.indirect.scatter.add.f32 [tilespmem:s15], [sflag:$0x1], $0x10, s19, s14, $0xb8;
	[tilespmem:$0x6000] =	vst v63  }
.Ltmp2:
0x39: {  	_ = 	snop;
	(pc) =	sbr.rel @p0 .LBB2_6-.Ltmp2, $4  }
0x3a: {  	_ = 	snop  }
0x3b: {  	s18 =	sadd.s32 $0x200, s18  }
0x3c: {  	_ =	swait.ge [sflag:s13], $0x800  }
0x3d: {  	[sflag:s13] =	ssyncset.done $0x0  }
0x3e: {  	s3 =	sadd.s32 $0x1, s3  }
0x3f: {  	[sflag:s13] =	ssyncadd.s32 $0xFFFFF800;
	p0 =	sne.s32 s3, s11  }
.Ltmp3:
0x40: {  	[bflag:$0x0] =	sbarrier.arrive $0xFFFF;
	(pc) =	sbr.rel @p0 .LBB2_1-.Ltmp3, $4  }
0x41: {  	[hbm:s10], [sflag:s16] =	dma.local [spmem:s17], $0x500  }
0x42: {  	_ =	swait.ge [sflag:s13], $0x500  }
0x43: {  	[sflag:s13] =	ssyncset.done $0x0  }
0x44: {  	[sflag:s13] =	ssyncadd.s32 $0xFFFFFB00  }
0x45: {  	_ =	sfence.sel $0x180000  }
0x46: {  	[bflag:$0x0] =	sbarrier.arrive $0xFFFF  }
0x47: {  	p0 =	sne.s32 s0, $0x0;
	_ =	strace $0x90000047  }
0x48: {  	s0 =	sadd.s32 @!p0 $0x100000, s1;
	[bflag:$0x2] =	sbarrier.arrive $0xFFFF  }
0x49: {  	[sflag:s0] =	ssyncadd.tile.s32 @!p0 $0x1;
	_ =	shalt  }
.Lfunc_end2:
_tile_overlayer_lowered:
.L_overlay_start_2:
0x4a: {  	(tag) =	ssettag $0x2  }
0x4b: {  	s0 =	rddreg [dreg:$0x0];
	s2 =	stileid.u32  }
0x4c: {  	s1 =	rddreg [dreg:$0x1];
	p0 =	sne.s32 s2, $0x0  }
0x4d: {  	s3 =	rddreg [dreg:$0x2];
	[bflag:$0x3] =	sbarrier.arrive $0xFFFF;
	s2 =	simm.s32 @!p0 $0x1C01  }
0x4e: {  	[timem:s3], [sflag:s2] =	dma.local @!p0 [hbm:s0], s1  }
0x4f: {  	s0 =	simm.s32 @!p0 $0x1  }
0x50: {  	_ =	swait.ge @!p0 [sflag:s0], s1  }
0x51: {  	s1 =	ssub.s32 @!p0 $0x0, s1;
	[sflag:s0] =	ssyncset.done @!p0 $0x0  }
0x52: {  	[sflag:s0] =	ssyncadd.s32 @!p0 s1  }
0x53: {  	[bflag:$0x3] =	sbarrier.arrive $0xFFFF  }
0x54: {  	_ =	shalt  }

</sc_bundles>
